<compile_context>
chip_gen: v7x
topology: tpu7x:2x2x1
jax: 0.10.2.dev20260603
libtpu: 0.0.44.dev20260713+nightly
codegen_flags: <defaults>
</compile_context>

<pallas_src>
import functools

import jax
import jax.numpy as jnp
from jax import lax
from jax.experimental import pallas as pl
from jax.experimental.pallas import tpu as pltpu
from jax.experimental.pallas import tpu_sc as plsc

_B = 16384
_D = 64
_L = 16
_K = 16


@functools.lru_cache(maxsize=None)
def _build_gather():
    info = plsc.get_sparse_core_info()
    nc, ns = info.num_cores, info.num_subcores
    nw = nc * ns
    b_per_w = _B // nw
    n_chunks = b_per_w // _K
    mesh = plsc.VectorSubcoreMesh(core_axis_name="c", subcore_axis_name="s")

    @functools.partial(
        pl.kernel,
        mesh=mesh,
        out_type=jax.ShapeDtypeStruct((_B, _D), jnp.float32),
        scratch_types=[
            pltpu.VMEM((b_per_w,), jnp.int32),
            pltpu.VMEM((b_per_w, _D), jnp.float32),
            pltpu.SemaphoreType.DMA,
        ],
    )
    def gather(ids_hbm, table_hbm, out_hbm, idx_v, rows_v, sem):
        wid = lax.axis_index("s") * nc + lax.axis_index("c")
        base = wid * b_per_w
        pltpu.sync_copy(ids_hbm.at[pl.ds(base, b_per_w)], idx_v)

        def fire(c):
            cb = c * _K
            vec = idx_v[pl.ds(cb, _K)]
            for j in range(_K):
                pltpu.async_copy(
                    table_hbm.at[pl.ds(vec[j], 1), :],
                    rows_v.at[pl.ds(cb + j, 1), :],
                    sem,
                )

        def drain(c):
            pltpu.make_async_copy(
                table_hbm.at[pl.ds(0, _K), :],
                rows_v.at[pl.ds(c * _K, _K), :],
                sem,
            ).wait()

        def step(c, carry):
            fire(c)
            drain(c - 1)
            return carry

        fire(0)
        lax.fori_loop(1, n_chunks, step, 0)
        drain(n_chunks - 1)

        pltpu.sync_copy(rows_v, out_hbm.at[pl.ds(base, b_per_w)])

    return gather


def kernel(ids, table):
    return _build_gather()(ids.astype(jnp.int32), table)

# --- scband reference (transcript-rebuilt; emitter-appended) ---
"""Pipeline reference for scband-dist-embedding-66202625901159 (READ-ONLY COPY).

The authoritative reference and input builder live on the scoring server;
editing this copy changes nothing except your own understanding.
"""

import jax, jax.numpy as jnp
import numpy as np


def setup_inputs(seed: int = 0) -> dict:
    key = jax.random.key(seed)
    k_ids, k_tab = jax.random.split(key)
    ids = jax.random.randint(k_ids, (16384,), 0, 1000000, dtype=jnp.int64)
    table = jax.random.normal(k_tab, (1000000, 64), dtype=jnp.float32)
    return {"ids": ids, "table": table}


def reference(ids, table):
    # DistEmbedding.forward -> _DistEmbFunction.forward: embs = dist_tensor[ids]
    embs = jnp.take(table, ids, axis=0)
    return embs

if __name__ == "__main__":
    import jax
    _d = setup_inputs()
    print(jax.jit(kernel)(*tuple(_d.values())))

</pallas_src>

<mosaic_0001>
#map = affine_map<(d0, d1) -> (0)>
#map1 = affine_map<(d0, d1) -> (0, 0)>
module attributes {stable_mosaic.version = 14 : i64} {
  func.func @gather(%arg0: i32, %arg1: i32, %arg2: memref<16384xi32, #tpu.memory_space<hbm>>, %arg3: memref<1000000x64xf32, #tpu.memory_space<hbm>>, %arg4: memref<16384x64xf32, #tpu.memory_space<hbm>>, %arg5: memref<512xi32, #tpu.memory_space<vmem>>, %arg6: memref<512x64xf32, #tpu.memory_space<vmem>>, %arg7: memref<!tpu.dma_semaphore, #tpu.memory_space<semaphore_mem>>) attributes {dimension_semantics = [#tpu.dimension_semantics<core_parallel>, #tpu.dimension_semantics<subcore_parallel>], iteration_bounds = array<i64: 2, 16>, scalar_prefetch = 0 : i64, scratch_operands = 3 : i64, tpu.core_type = #tpu.core_type<sc_vector_subcore>, window_params = [{transform_indices = #map}, {transform_indices = #map1}, {transform_indices = #map1}]} {
    %mul3A = arith.constant 2 : i32
    %mul3A_0 = arith.muli %arg1, %mul3A : i32
    %add3A = arith.addi %mul3A_0, %arg0 : i32
    %mul3A_1 = arith.constant 512 : i32
    %mul3A_2 = arith.muli %add3A, %mul3A_1 : i32
    "tpu.region"() ({
      %run_scoped3A = tpu.sem_alloc : memref<!tpu.dma_semaphore, #tpu.memory_space<semaphore_mem>>
      %dma_start3A_210 = tpu.memref_slice %arg2[%mul3A_2] : memref<16384xi32, #tpu.memory_space<hbm>> -> memref<512xi32, #tpu.memory_space<hbm>>
      %dma_start3A_211 = tpu.memref_slice %arg2[%mul3A_2] : memref<16384xi32, #tpu.memory_space<hbm>> -> memref<512xi32, #tpu.memory_space<hbm>>
      tpu.enqueue_dma source(%dma_start3A_211 : memref<512xi32, #tpu.memory_space<hbm>>) target(%arg5 : memref<512xi32, #tpu.memory_space<vmem>>) target_semaphore(%run_scoped3A : memref<!tpu.dma_semaphore, #tpu.memory_space<semaphore_mem>>)
      %dma_wait3A_212 = tpu.memref_slice %arg2[%mul3A_2] : memref<16384xi32, #tpu.memory_space<hbm>> -> memref<512xi32, #tpu.memory_space<hbm>>
      %dma_wait3A_213 = tpu.memref_slice %arg2[%mul3A_2] : memref<16384xi32, #tpu.memory_space<hbm>> -> memref<512xi32, #tpu.memory_space<hbm>>
      tpu.wait_dma2 semaphore(%run_scoped3A : memref<!tpu.dma_semaphore, #tpu.memory_space<semaphore_mem>>) src(%dma_wait3A_213 : memref<512xi32, #tpu.memory_space<hbm>>) dst(%arg5 : memref<512xi32, #tpu.memory_space<vmem>>)
      tpu.yield
    }) : () -> ()
    %get3A = arith.constant 0 : index
    %get3A_3 = tpu.vector_load %arg5[%get3A] {strides = array<i32>} : memref<512xi32, #tpu.memory_space<vmem>>, vector<16xi32>,
    %get3A_4 = vector.shape_cast %get3A_3 : vector<16xi32> to vector<16xi32>
    %slice3A = vector.extract_strided_slice %get3A_4 {offsets = [0], sizes = [1], strides = [1]} : vector<16xi32> to vector<1xi32>
    %squeeze3A = vector.extract %slice3A[0] : i32 from vector<1xi32>
    %dma_start3A = arith.constant 0 : i32
    %dma_start3A_5 = arith.constant 0 : i32
    %dma_start3A_6 = tpu.memref_slice %arg6[%dma_start3A, %dma_start3A_5] : memref<512x64xf32, #tpu.memory_space<vmem>> -> memref<1x64xf32, #tpu.memory_space<vmem>>
    %dma_start3A_7 = arith.constant 0 : i32
    %dma_start3A_8 = tpu.memref_slice %arg3[%squeeze3A, %dma_start3A_7] : memref<1000000x64xf32, #tpu.memory_space<hbm>> -> memref<1x64xf32, #tpu.memory_space<hbm>>
    %dma_start3A_9 = arith.constant 0 : i32
    %dma_start3A_10 = arith.constant 0 : i32
    %dma_start3A_11 = tpu.memref_slice %arg6[%dma_start3A_9, %dma_start3A_10] : memref<512x64xf32, #tpu.memory_space<vmem>> -> memref<1x64xf32, #tpu.memory_space<vmem>>
    %dma_start3A_12 = arith.constant 0 : i32
    %dma_start3A_13 = tpu.memref_slice %arg3[%squeeze3A, %dma_start3A_12] : memref<1000000x64xf32, #tpu.memory_space<hbm>> -> memref<1x64xf32, #tpu.memory_space<hbm>>
    tpu.enqueue_dma source(%dma_start3A_13 : memref<1x64xf32, #tpu.memory_space<hbm>>) target(%dma_start3A_11 : memref<1x64xf32, #tpu.memory_space<vmem>>) target_semaphore(%arg7 : memref<!tpu.dma_semaphore, #tpu.memory_space<semaphore_mem>>)
    %slice3A_14 = vector.extract_strided_slice %get3A_4 {offsets = [1], sizes = [1], strides = [1]} : vector<16xi32> to vector<1xi32>
    %squeeze3A_15 = vector.extract %slice3A_14[0] : i32 from vector<1xi32>
    %dma_start3A_16 = arith.constant 1 : i32
    %dma_start3A_17 = arith.constant 0 : i32
    %dma_start3A_18 = tpu.memref_slice %arg6[%dma_start3A_16, %dma_start3A_17] : memref<512x64xf32, #tpu.memory_space<vmem>> -> memref<1x64xf32, #tpu.memory_space<vmem>>
    %dma_start3A_19 = arith.constant 0 : i32
    %dma_start3A_20 = tpu.memref_slice %arg3[%squeeze3A_15, %dma_start3A_19] : memref<1000000x64xf32, #tpu.memory_space<hbm>> -> memref<1x64xf32, #tpu.memory_space<hbm>>
    %dma_start3A_21 = arith.constant 1 : i32
    %dma_start3A_22 = arith.constant 0 : i32
    %dma_start3A_23 = tpu.memref_slice %arg6[%dma_start3A_21, %dma_start3A_22] : memref<512x64xf32, #tpu.memory_space<vmem>> -> memref<1x64xf32, #tpu.memory_space<vmem>>
    %dma_start3A_24 = arith.constant 0 : i32
    %dma_start3A_25 = tpu.memref_slice %arg3[%squeeze3A_15, %dma_start3A_24] : memref<1000000x64xf32, #tpu.memory_space<hbm>> -> memref<1x64xf32, #tpu.memory_space<hbm>>
    tpu.enqueue_dma source(%dma_start3A_25 : memref<1x64xf32, #tpu.memory_space<hbm>>) target(%dma_start3A_23 : memref<1x64xf32, #tpu.memory_space<vmem>>) target_semaphore(%arg7 : memref<!tpu.dma_semaphore, #tpu.memory_space<semaphore_mem>>)
    %slice3A_26 = vector.extract_strided_slice %get3A_4 {offsets = [2], sizes = [1], strides = [1]} : vector<16xi32> to vector<1xi32>
    %squeeze3A_27 = vector.extract %slice3A_26[0] : i32 from vector<1xi32>
    %dma_start3A_28 = arith.constant 2 : i32
    %dma_start3A_29 = arith.constant 0 : i32
    %dma_start3A_30 = tpu.memref_slice %arg6[%dma_start3A_28, %dma_start3A_29] : memref<512x64xf32, #tpu.memory_space<vmem>> -> memref<1x64xf32, #tpu.memory_space<vmem>>
    %dma_start3A_31 = arith.constant 0 : i32
    %dma_start3A_32 = tpu.memref_slice %arg3[%squeeze3A_27, %dma_start3A_31] : memref<1000000x64xf32, #tpu.memory_space<hbm>> -> memref<1x64xf32, #tpu.memory_space<hbm>>
    %dma_start3A_33 = arith.constant 2 : i32
    %dma_start3A_34 = arith.constant 0 : i32
    %dma_start3A_35 = tpu.memref_slice %arg6[%dma_start3A_33, %dma_start3A_34] : memref<512x64xf32, #tpu.memory_space<vmem>> -> memref<1x64xf32, #tpu.memory_space<vmem>>
    %dma_start3A_36 = arith.constant 0 : i32
    %dma_start3A_37 = tpu.memref_slice %arg3[%squeeze3A_27, %dma_start3A_36] : memref<1000000x64xf32, #tpu.memory_space<hbm>> -> memref<1x64xf32, #tpu.memory_space<hbm>>
    tpu.enqueue_dma source(%dma_start3A_37 : memref<1x64xf32, #tpu.memory_space<hbm>>) target(%dma_start3A_35 : memref<1x64xf32, #tpu.memory_space<vmem>>) target_semaphore(%arg7 : memref<!tpu.dma_semaphore, #tpu.memory_space<semaphore_mem>>)
    %slice3A_38 = vector.extract_strided_slice %get3A_4 {offsets = [3], sizes = [1], strides = [1]} : vector<16xi32> to vector<1xi32>
    %squeeze3A_39 = vector.extract %slice3A_38[0] : i32 from vector<1xi32>
    %dma_start3A_40 = arith.constant 3 : i32
    %dma_start3A_41 = arith.constant 0 : i32
    %dma_start3A_42 = tpu.memref_slice %arg6[%dma_start3A_40, %dma_start3A_41] : memref<512x64xf32, #tpu.memory_space<vmem>> -> memref<1x64xf32, #tpu.memory_space<vmem>>
    %dma_start3A_43 = arith.constant 0 : i32
    %dma_start3A_44 = tpu.memref_slice %arg3[%squeeze3A_39, %dma_start3A_43] : memref<1000000x64xf32, #tpu.memory_space<hbm>> -> memref<1x64xf32, #tpu.memory_space<hbm>>
    %dma_start3A_45 = arith.constant 3 : i32
    %dma_start3A_46 = arith.constant 0 : i32
    %dma_start3A_47 = tpu.memref_slice %arg6[%dma_start3A_45, %dma_start3A_46] : memref<512x64xf32, #tpu.memory_space<vmem>> -> memref<1x64xf32, #tpu.memory_space<vmem>>
    %dma_start3A_48 = arith.constant 0 : i32
    %dma_start3A_49 = tpu.memref_slice %arg3[%squeeze3A_39, %dma_start3A_48] : memref<1000000x64xf32, #tpu.memory_space<hbm>> -> memref<1x64xf32, #tpu.memory_space<hbm>>
    tpu.enqueue_dma source(%dma_start3A_49 : memref<1x64xf32, #tpu.memory_space<hbm>>) target(%dma_start3A_47 : memref<1x64xf32, #tpu.memory_space<vmem>>) target_semaphore(%arg7 : memref<!tpu.dma_semaphore, #tpu.memory_space<semaphore_mem>>)
    %slice3A_50 = vector.extract_strided_slice %get3A_4 {offsets = [4], sizes = [1], strides = [1]} : vector<16xi32> to vector<1xi32>
    %squeeze3A_51 = vector.extract %slice3A_50[0] : i32 from vector<1xi32>
    %dma_start3A_52 = arith.constant 4 : i32
    %dma_start3A_53 = arith.constant 0 : i32
    %dma_start3A_54 = tpu.memref_slice %arg6[%dma_start3A_52, %dma_start3A_53] : memref<512x64xf32, #tpu.memory_space<vmem>> -> memref<1x64xf32, #tpu.memory_space<vmem>>
    %dma_start3A_55 = arith.constant 0 : i32
    %dma_start3A_56 = tpu.memref_slice %arg3[%squeeze3A_51, %dma_start3A_55] : memref<1000000x64xf32, #tpu.memory_space<hbm>> -> memref<1x64xf32, #tpu.memory_space<hbm>>
    %dma_start3A_57 = arith.constant 4 : i32
    %dma_start3A_58 = arith.constant 0 : i32
    %dma_start3A_59 = tpu.memref_slice %arg6[%dma_start3A_57, %dma_start3A_58] : memref<512x64xf32, #tpu.memory_space<vmem>> -> memref<1x64xf32, #tpu.memory_space<vmem>>
    %dma_start3A_60 = arith.constant 0 : i32
    %dma_start3A_61 = tpu.memref_slice %arg3[%squeeze3A_51, %dma_start3A_60] : memref<1000000x64xf32, #tpu.memory_space<hbm>> -> memref<1x64xf32, #tpu.memory_space<hbm>>
    tpu.enqueue_dma source(%dma_start3A_61 : memref<1x64xf32, #tpu.memory_space<hbm>>) target(%dma_start3A_59 : memref<1x64xf32, #tpu.memory_space<vmem>>) target_semaphore(%arg7 : memref<!tpu.dma_semaphore, #tpu.memory_space<semaphore_mem>>)
    %slice3A_62 = vector.extract_strided_slice %get3A_4 {offsets = [5], sizes = [1], strides = [1]} : vector<16xi32> to vector<1xi32>
    %squeeze3A_63 = vector.extract %slice3A_62[0] : i32 from vector<1xi32>
    %dma_start3A_64 = arith.constant 5 : i32
    %dma_start3A_65 = arith.constant 0 : i32
    %dma_start3A_66 = tpu.memref_slice %arg6[%dma_start3A_64, %dma_start3A_65] : memref<512x64xf32, #tpu.memory_space<vmem>> -> memref<1x64xf32, #tpu.memory_space<vmem>>
    %dma_start3A_67 = arith.constant 0 : i32
    %dma_start3A_68 = tpu.memref_slice %arg3[%squeeze3A_63, %dma_start3A_67] : memref<1000000x64xf32, #tpu.memory_space<hbm>> -> memref<1x64xf32, #tpu.memory_space<hbm>>
    %dma_start3A_69 = arith.constant 5 : i32
    %dma_start3A_70 = arith.constant 0 : i32
    %dma_start3A_71 = tpu.memref_slice %arg6[%dma_start3A_69, %dma_start3A_70] : memref<512x64xf32, #tpu.memory_space<vmem>> -> memref<1x64xf32, #tpu.memory_space<vmem>>
    %dma_start3A_72 = arith.constant 0 : i32
    %dma_start3A_73 = tpu.memref_slice %arg3[%squeeze3A_63, %dma_start3A_72] : memref<1000000x64xf32, #tpu.memory_space<hbm>> -> memref<1x64xf32, #tpu.memory_space<hbm>>
    tpu.enqueue_dma source(%dma_start3A_73 : memref<1x64xf32, #tpu.memory_space<hbm>>) target(%dma_start3A_71 : memref<1x64xf32, #tpu.memory_space<vmem>>) target_semaphore(%arg7 : memref<!tpu.dma_semaphore, #tpu.memory_space<semaphore_mem>>)
    %slice3A_74 = vector.extract_strided_slice %get3A_4 {offsets = [6], sizes = [1], strides = [1]} : vector<16xi32> to vector<1xi32>
    %squeeze3A_75 = vector.extract %slice3A_74[0] : i32 from vector<1xi32>
    %dma_start3A_76 = arith.constant 6 : i32
    %dma_start3A_77 = arith.constant 0 : i32
    %dma_start3A_78 = tpu.memref_slice %arg6[%dma_start3A_76, %dma_start3A_77] : memref<512x64xf32, #tpu.memory_space<vmem>> -> memref<1x64xf32, #tpu.memory_space<vmem>>
    %dma_start3A_79 = arith.constant 0 : i32
    %dma_start3A_80 = tpu.memref_slice %arg3[%squeeze3A_75, %dma_start3A_79] : memref<1000000x64xf32, #tpu.memory_space<hbm>> -> memref<1x64xf32, #tpu.memory_space<hbm>>
    %dma_start3A_81 = arith.constant 6 : i32
    %dma_start3A_82 = arith.constant 0 : i32
    %dma_start3A_83 = tpu.memref_slice %arg6[%dma_start3A_81, %dma_start3A_82] : memref<512x64xf32, #tpu.memory_space<vmem>> -> memref<1x64xf32, #tpu.memory_space<vmem>>
    %dma_start3A_84 = arith.constant 0 : i32
    %dma_start3A_85 = tpu.memref_slice %arg3[%squeeze3A_75, %dma_start3A_84] : memref<1000000x64xf32, #tpu.memory_space<hbm>> -> memref<1x64xf32, #tpu.memory_space<hbm>>
    tpu.enqueue_dma source(%dma_start3A_85 : memref<1x64xf32, #tpu.memory_space<hbm>>) target(%dma_start3A_83 : memref<1x64xf32, #tpu.memory_space<vmem>>) target_semaphore(%arg7 : memref<!tpu.dma_semaphore, #tpu.memory_space<semaphore_mem>>)
    %slice3A_86 = vector.extract_strided_slice %get3A_4 {offsets = [7], sizes = [1], strides = [1]} : vector<16xi32> to vector<1xi32>
    %squeeze3A_87 = vector.extract %slice3A_86[0] : i32 from vector<1xi32>
    %dma_start3A_88 = arith.constant 7 : i32
    %dma_start3A_89 = arith.constant 0 : i32
    %dma_start3A_90 = tpu.memref_slice %arg6[%dma_start3A_88, %dma_start3A_89] : memref<512x64xf32, #tpu.memory_space<vmem>> -> memref<1x64xf32, #tpu.memory_space<vmem>>
    %dma_start3A_91 = arith.constant 0 : i32
    %dma_start3A_92 = tpu.memref_slice %arg3[%squeeze3A_87, %dma_start3A_91] : memref<1000000x64xf32, #tpu.memory_space<hbm>> -> memref<1x64xf32, #tpu.memory_space<hbm>>
    %dma_start3A_93 = arith.constant 7 : i32
    %dma_start3A_94 = arith.constant 0 : i32
    %dma_start3A_95 = tpu.memref_slice %arg6[%dma_start3A_93, %dma_start3A_94] : memref<512x64xf32, #tpu.memory_space<vmem>> -> memref<1x64xf32, #tpu.memory_space<vmem>>
    %dma_start3A_96 = arith.constant 0 : i32
    %dma_start3A_97 = tpu.memref_slice %arg3[%squeeze3A_87, %dma_start3A_96] : memref<1000000x64xf32, #tpu.memory_space<hbm>> -> memref<1x64xf32, #tpu.memory_space<hbm>>
    tpu.enqueue_dma source(%dma_start3A_97 : memref<1x64xf32, #tpu.memory_space<hbm>>) target(%dma_start3A_95 : memref<1x64xf32, #tpu.memory_space<vmem>>) target_semaphore(%arg7 : memref<!tpu.dma_semaphore, #tpu.memory_space<semaphore_mem>>)
    %slice3A_98 = vector.extract_strided_slice %get3A_4 {offsets = [8], sizes = [1], strides = [1]} : vector<16xi32> to vector<1xi32>
    %squeeze3A_99 = vector.extract %slice3A_98[0] : i32 from vector<1xi32>
    %dma_start3A_100 = arith.constant 8 : i32
    %dma_start3A_101 = arith.constant 0 : i32
    %dma_start3A_102 = tpu.memref_slice %arg6[%dma_start3A_100, %dma_start3A_101] : memref<512x64xf32, #tpu.memory_space<vmem>> -> memref<1x64xf32, #tpu.memory_space<vmem>>
    %dma_start3A_103 = arith.constant 0 : i32
    %dma_start3A_104 = tpu.memref_slice %arg3[%squeeze3A_99, %dma_start3A_103] : memref<1000000x64xf32, #tpu.memory_space<hbm>> -> memref<1x64xf32, #tpu.memory_space<hbm>>
    %dma_start3A_105 = arith.constant 8 : i32
    %dma_start3A_106 = arith.constant 0 : i32
    %dma_start3A_107 = tpu.memref_slice %arg6[%dma_start3A_105, %dma_start3A_106] : memref<512x64xf32, #tpu.memory_space<vmem>> -> memref<1x64xf32, #tpu.memory_space<vmem>>
    %dma_start3A_108 = arith.constant 0 : i32
    %dma_start3A_109 = tpu.memref_slice %arg3[%squeeze3A_99, %dma_start3A_108] : memref<1000000x64xf32, #tpu.memory_space<hbm>> -> memref<1x64xf32, #tpu.memory_space<hbm>>
    tpu.enqueue_dma source(%dma_start3A_109 : memref<1x64xf32, #tpu.memory_space<hbm>>) target(%dma_start3A_107 : memref<1x64xf32, #tpu.memory_space<vmem>>) target_semaphore(%arg7 : memref<!tpu.dma_semaphore, #tpu.memory_space<semaphore_mem>>)
    %slice3A_110 = vector.extract_strided_slice %get3A_4 {offsets = [9], sizes = [1], strides = [1]} : vector<16xi32> to vector<1xi32>
    %squeeze3A_111 = vector.extract %slice3A_110[0] : i32 from vector<1xi32>
    %dma_start3A_112 = arith.constant 9 : i32
    %dma_start3A_113 = arith.constant 0 : i32
    %dma_start3A_114 = tpu.memref_slice %arg6[%dma_start3A_112, %dma_start3A_113] : memref<512x64xf32, #tpu.memory_space<vmem>> -> memref<1x64xf32, #tpu.memory_space<vmem>>
    %dma_start3A_115 = arith.constant 0 : i32
    %dma_start3A_116 = tpu.memref_slice %arg3[%squeeze3A_111, %dma_start3A_115] : memref<1000000x64xf32, #tpu.memory_space<hbm>> -> memref<1x64xf32, #tpu.memory_space<hbm>>
    %dma_start3A_117 = arith.constant 9 : i32
    %dma_start3A_118 = arith.constant 0 : i32
    %dma_start3A_119 = tpu.memref_slice %arg6[%dma_start3A_117, %dma_start3A_118] : memref<512x64xf32, #tpu.memory_space<vmem>> -> memref<1x64xf32, #tpu.memory_space<vmem>>
    %dma_start3A_120 = arith.constant 0 : i32
    %dma_start3A_121 = tpu.memref_slice %arg3[%squeeze3A_111, %dma_start3A_120] : memref<1000000x64xf32, #tpu.memory_space<hbm>> -> memref<1x64xf32, #tpu.memory_space<hbm>>
    tpu.enqueue_dma source(%dma_start3A_121 : memref<1x64xf32, #tpu.memory_space<hbm>>) target(%dma_start3A_119 : memref<1x64xf32, #tpu.memory_space<vmem>>) target_semaphore(%arg7 : memref<!tpu.dma_semaphore, #tpu.memory_space<semaphore_mem>>)
    %slice3A_122 = vector.extract_strided_slice %get3A_4 {offsets = [10], sizes = [1], strides = [1]} : vector<16xi32> to vector<1xi32>
    %squeeze3A_123 = vector.extract %slice3A_122[0] : i32 from vector<1xi32>
    %dma_start3A_124 = arith.constant 10 : i32
    %dma_start3A_125 = arith.constant 0 : i32
    %dma_start3A_126 = tpu.memref_slice %arg6[%dma_start3A_124, %dma_start3A_125] : memref<512x64xf32, #tpu.memory_space<vmem>> -> memref<1x64xf32, #tpu.memory_space<vmem>>
    %dma_start3A_127 = arith.constant 0 : i32
    %dma_start3A_128 = tpu.memref_slice %arg3[%squeeze3A_123, %dma_start3A_127] : memref<1000000x64xf32, #tpu.memory_space<hbm>> -> memref<1x64xf32, #tpu.memory_space<hbm>>
    %dma_start3A_129 = arith.constant 10 : i32
    %dma_start3A_130 = arith.constant 0 : i32
    %dma_start3A_131 = tpu.memref_slice %arg6[%dma_start3A_129, %dma_start3A_130] : memref<512x64xf32, #tpu.memory_space<vmem>> -> memref<1x64xf32, #tpu.memory_space<vmem>>
    %dma_start3A_132 = arith.constant 0 : i32
    %dma_start3A_133 = tpu.memref_slice %arg3[%squeeze3A_123, %dma_start3A_132] : memref<1000000x64xf32, #tpu.memory_space<hbm>> -> memref<1x64xf32, #tpu.memory_space<hbm>>
    tpu.enqueue_dma source(%dma_start3A_133 : memref<1x64xf32, #tpu.memory_space<hbm>>) target(%dma_start3A_131 : memref<1x64xf32, #tpu.memory_space<vmem>>) target_semaphore(%arg7 : memref<!tpu.dma_semaphore, #tpu.memory_space<semaphore_mem>>)
    %slice3A_134 = vector.extract_strided_slice %get3A_4 {offsets = [11], sizes = [1], strides = [1]} : vector<16xi32> to vector<1xi32>
    %squeeze3A_135 = vector.extract %slice3A_134[0] : i32 from vector<1xi32>
    %dma_start3A_136 = arith.constant 11 : i32
    %dma_start3A_137 = arith.constant 0 : i32
    %dma_start3A_138 = tpu.memref_slice %arg6[%dma_start3A_136, %dma_start3A_137] : memref<512x64xf32, #tpu.memory_space<vmem>> -> memref<1x64xf32, #tpu.memory_space<vmem>>
    %dma_start3A_139 = arith.constant 0 : i32
    %dma_start3A_140 = tpu.memref_slice %arg3[%squeeze3A_135, %dma_start3A_139] : memref<1000000x64xf32, #tpu.memory_space<hbm>> -> memref<1x64xf32, #tpu.memory_space<hbm>>
    %dma_start3A_141 = arith.constant 11 : i32
    %dma_start3A_142 = arith.constant 0 : i32
    %dma_start3A_143 = tpu.memref_slice %arg6[%dma_start3A_141, %dma_start3A_142] : memref<512x64xf32, #tpu.memory_space<vmem>> -> memref<1x64xf32, #tpu.memory_space<vmem>>
    %dma_start3A_144 = arith.constant 0 : i32
    %dma_start3A_145 = tpu.memref_slice %arg3[%squeeze3A_135, %dma_start3A_144] : memref<1000000x64xf32, #tpu.memory_space<hbm>> -> memref<1x64xf32, #tpu.memory_space<hbm>>
    tpu.enqueue_dma source(%dma_start3A_145 : memref<1x64xf32, #tpu.memory_space<hbm>>) target(%dma_start3A_143 : memref<1x64xf32, #tpu.memory_space<vmem>>) target_semaphore(%arg7 : memref<!tpu.dma_semaphore, #tpu.memory_space<semaphore_mem>>)
    %slice3A_146 = vector.extract_strided_slice %get3A_4 {offsets = [12], sizes = [1], strides = [1]} : vector<16xi32> to vector<1xi32>
    %squeeze3A_147 = vector.extract %slice3A_146[0] : i32 from vector<1xi32>
    %dma_start3A_148 = arith.constant 12 : i32
    %dma_start3A_149 = arith.constant 0 : i32
    %dma_start3A_150 = tpu.memref_slice %arg6[%dma_start3A_148, %dma_start3A_149] : memref<512x64xf32, #tpu.memory_space<vmem>> -> memref<1x64xf32, #tpu.memory_space<vmem>>
    %dma_start3A_151 = arith.constant 0 : i32
    %dma_start3A_152 = tpu.memref_slice %arg3[%squeeze3A_147, %dma_start3A_151] : memref<1000000x64xf32, #tpu.memory_space<hbm>> -> memref<1x64xf32, #tpu.memory_space<hbm>>
    %dma_start3A_153 = arith.constant 12 : i32
    %dma_start3A_154 = arith.constant 0 : i32
    %dma_start3A_155 = tpu.memref_slice %arg6[%dma_start3A_153, %dma_start3A_154] : memref<512x64xf32, #tpu.memory_space<vmem>> -> memref<1x64xf32, #tpu.memory_space<vmem>>
    %dma_start3A_156 = arith.constant 0 : i32
    %dma_start3A_157 = tpu.memref_slice %arg3[%squeeze3A_147, %dma_start3A_156] : memref<1000000x64xf32, #tpu.memory_space<hbm>> -> memref<1x64xf32, #tpu.memory_space<hbm>>
    tpu.enqueue_dma source(%dma_start3A_157 : memref<1x64xf32, #tpu.memory_space<hbm>>) target(%dma_start3A_155 : memref<1x64xf32, #tpu.memory_space<vmem>>) target_semaphore(%arg7 : memref<!tpu.dma_semaphore, #tpu.memory_space<semaphore_mem>>)
    %slice3A_158 = vector.extract_strided_slice %get3A_4 {offsets = [13], sizes = [1], strides = [1]} : vector<16xi32> to vector<1xi32>
    %squeeze3A_159 = vector.extract %slice3A_158[0] : i32 from vector<1xi32>
    %dma_start3A_160 = arith.constant 13 : i32
    %dma_start3A_161 = arith.constant 0 : i32
    %dma_start3A_162 = tpu.memref_slice %arg6[%dma_start3A_160, %dma_start3A_161] : memref<512x64xf32, #tpu.memory_space<vmem>> -> memref<1x64xf32, #tpu.memory_space<vmem>>
    %dma_start3A_163 = arith.constant 0 : i32
    %dma_start3A_164 = tpu.memref_slice %arg3[%squeeze3A_159, %dma_start3A_163] : memref<1000000x64xf32, #tpu.memory_space<hbm>> -> memref<1x64xf32, #tpu.memory_space<hbm>>
    %dma_start3A_165 = arith.constant 13 : i32
    %dma_start3A_166 = arith.constant 0 : i32
    %dma_start3A_167 = tpu.memref_slice %arg6[%dma_start3A_165, %dma_start3A_166] : memref<512x64xf32, #tpu.memory_space<vmem>> -> memref<1x64xf32, #tpu.memory_space<vmem>>
    %dma_start3A_168 = arith.constant 0 : i32
    %dma_start3A_169 = tpu.memref_slice %arg3[%squeeze3A_159, %dma_start3A_168] : memref<1000000x64xf32, #tpu.memory_space<hbm>> -> memref<1x64xf32, #tpu.memory_space<hbm>>
    tpu.enqueue_dma source(%dma_start3A_169 : memref<1x64xf32, #tpu.memory_space<hbm>>) target(%dma_start3A_167 : memref<1x64xf32, #tpu.memory_space<vmem>>) target_semaphore(%arg7 : memref<!tpu.dma_semaphore, #tpu.memory_space<semaphore_mem>>)
    %slice3A_170 = vector.extract_strided_slice %get3A_4 {offsets = [14], sizes = [1], strides = [1]} : vector<16xi32> to vector<1xi32>
    %squeeze3A_171 = vector.extract %slice3A_170[0] : i32 from vector<1xi32>
    %dma_start3A_172 = arith.constant 14 : i32
    %dma_start3A_173 = arith.constant 0 : i32
    %dma_start3A_174 = tpu.memref_slice %arg6[%dma_start3A_172, %dma_start3A_173] : memref<512x64xf32, #tpu.memory_space<vmem>> -> memref<1x64xf32, #tpu.memory_space<vmem>>
    %dma_start3A_175 = arith.constant 0 : i32
    %dma_start3A_176 = tpu.memref_slice %arg3[%squeeze3A_171, %dma_start3A_175] : memref<1000000x64xf32, #tpu.memory_space<hbm>> -> memref<1x64xf32, #tpu.memory_space<hbm>>
    %dma_start3A_177 = arith.constant 14 : i32
    %dma_start3A_178 = arith.constant 0 : i32
    %dma_start3A_179 = tpu.memref_slice %arg6[%dma_start3A_177, %dma_start3A_178] : memref<512x64xf32, #tpu.memory_space<vmem>> -> memref<1x64xf32, #tpu.memory_space<vmem>>
    %dma_start3A_180 = arith.constant 0 : i32
    %dma_start3A_181 = tpu.memref_slice %arg3[%squeeze3A_171, %dma_start3A_180] : memref<1000000x64xf32, #tpu.memory_space<hbm>> -> memref<1x64xf32, #tpu.memory_space<hbm>>
    tpu.enqueue_dma source(%dma_start3A_181 : memref<1x64xf32, #tpu.memory_space<hbm>>) target(%dma_start3A_179 : memref<1x64xf32, #tpu.memory_space<vmem>>) target_semaphore(%arg7 : memref<!tpu.dma_semaphore, #tpu.memory_space<semaphore_mem>>)
    %slice3A_182 = vector.extract_strided_slice %get3A_4 {offsets = [15], sizes = [1], strides = [1]} : vector<16xi32> to vector<1xi32>
    %squeeze3A_183 = vector.extract %slice3A_182[0] : i32 from vector<1xi32>
    %dma_start3A_184 = arith.constant 15 : i32
    %dma_start3A_185 = arith.constant 0 : i32
    %dma_start3A_186 = tpu.memref_slice %arg6[%dma_start3A_184, %dma_start3A_185] : memref<512x64xf32, #tpu.memory_space<vmem>> -> memref<1x64xf32, #tpu.memory_space<vmem>>
    %dma_start3A_187 = arith.constant 0 : i32
    %dma_start3A_188 = tpu.memref_slice %arg3[%squeeze3A_183, %dma_start3A_187] : memref<1000000x64xf32, #tpu.memory_space<hbm>> -> memref<1x64xf32, #tpu.memory_space<hbm>>
    %dma_start3A_189 = arith.constant 15 : i32
    %dma_start3A_190 = arith.constant 0 : i32
    %dma_start3A_191 = tpu.memref_slice %arg6[%dma_start3A_189, %dma_start3A_190] : memref<512x64xf32, #tpu.memory_space<vmem>> -> memref<1x64xf32, #tpu.memory_space<vmem>>
    %dma_start3A_192 = arith.constant 0 : i32
    %dma_start3A_193 = tpu.memref_slice %arg3[%squeeze3A_183, %dma_start3A_192] : memref<1000000x64xf32, #tpu.memory_space<hbm>> -> memref<1x64xf32, #tpu.memory_space<hbm>>
    tpu.enqueue_dma source(%dma_start3A_193 : memref<1x64xf32, #tpu.memory_space<hbm>>) target(%dma_start3A_191 : memref<1x64xf32, #tpu.memory_space<vmem>>) target_semaphore(%arg7 : memref<!tpu.dma_semaphore, #tpu.memory_space<semaphore_mem>>)
    %scan3A = arith.constant 0 : i32
    %scan3A_194 = arith.constant 1 : i32
    %scan3A_195 = arith.constant 31 : i32
    %scan3A_196 = arith.addi %scan3A_194, %scan3A_195 : i32
    %scan3A_197 = arith.constant 1 : i32
    scf.for %scan3A_210 = %scan3A_194 to %scan3A_196 step %scan3A_197  : i32 {
      %mul3A_211 = arith.constant 16 : i32
      %mul3A_212 = arith.muli %scan3A_210, %mul3A_211 : i32
      %get3A_213 = arith.index_cast %mul3A_212 : i32 to index
      %get3A_214 = tpu.vector_load %arg5[%get3A_213] {strides = array<i32>} : memref<512xi32, #tpu.memory_space<vmem>>, vector<16xi32>,
      %get3A_215 = vector.shape_cast %get3A_214 : vector<16xi32> to vector<16xi32>
      %slice3A_216 = vector.extract_strided_slice %get3A_215 {offsets = [0], sizes = [1], strides = [1]} : vector<16xi32> to vector<1xi32>
      %squeeze3A_217 = vector.extract %slice3A_216[0] : i32 from vector<1xi32>
      %add3A_218 = arith.constant 0 : i32
      %add3A_219 = arith.addi %mul3A_212, %add3A_218 : i32
      %dma_start3A_220 = arith.constant 0 : i32
      %dma_start3A_221 = tpu.memref_slice %arg6[%add3A_219, %dma_start3A_220] : memref<512x64xf32, #tpu.memory_space<vmem>> -> memref<1x64xf32, #tpu.memory_space<vmem>>
      %dma_start3A_222 = arith.constant 0 : i32
      %dma_start3A_223 = tpu.memref_slice %arg3[%squeeze3A_217, %dma_start3A_222] : memref<1000000x64xf32, #tpu.memory_space<hbm>> -> memref<1x64xf32, #tpu.memory_space<hbm>>
      %dma_start3A_224 = arith.constant 0 : i32
      %dma_start3A_225 = tpu.memref_slice %arg6[%add3A_219, %dma_start3A_224] : memref<512x64xf32, #tpu.memory_space<vmem>> -> memref<1x64xf32, #tpu.memory_space<vmem>>
      %dma_start3A_226 = arith.constant 0 : i32
      %dma_start3A_227 = tpu.memref_slice %arg3[%squeeze3A_217, %dma_start3A_226] : memref<1000000x64xf32, #tpu.memory_space<hbm>> -> memref<1x64xf32, #tpu.memory_space<hbm>>
      tpu.enqueue_dma source(%dma_start3A_227 : memref<1x64xf32, #tpu.memory_space<hbm>>) target(%dma_start3A_225 : memref<1x64xf32, #tpu.memory_space<vmem>>) target_semaphore(%arg7 : memref<!tpu.dma_semaphore, #tpu.memory_space<semaphore_mem>>)
      %slice3A_228 = vector.extract_strided_slice %get3A_215 {offsets = [1], sizes = [1], strides = [1]} : vector<16xi32> to vector<1xi32>
      %squeeze3A_229 = vector.extract %slice3A_228[0] : i32 from vector<1xi32>
      %add3A_230 = arith.constant 1 : i32
      %add3A_231 = arith.addi %mul3A_212, %add3A_230 : i32
      %dma_start3A_232 = arith.constant 0 : i32
      %dma_start3A_233 = tpu.memref_slice %arg6[%add3A_231, %dma_start3A_232] : memref<512x64xf32, #tpu.memory_space<vmem>> -> memref<1x64xf32, #tpu.memory_space<vmem>>
      %dma_start3A_234 = arith.constant 0 : i32
      %dma_start3A_235 = tpu.memref_slice %arg3[%squeeze3A_229, %dma_start3A_234] : memref<1000000x64xf32, #tpu.memory_space<hbm>> -> memref<1x64xf32, #tpu.memory_space<hbm>>
      %dma_start3A_236 = arith.constant 0 : i32
      %dma_start3A_237 = tpu.memref_slice %arg6[%add3A_231, %dma_start3A_236] : memref<512x64xf32, #tpu.memory_space<vmem>> -> memref<1x64xf32, #tpu.memory_space<vmem>>
      %dma_start3A_238 = arith.constant 0 : i32
      %dma_start3A_239 = tpu.memref_slice %arg3[%squeeze3A_229, %dma_start3A_238] : memref<1000000x64xf32, #tpu.memory_space<hbm>> -> memref<1x64xf32, #tpu.memory_space<hbm>>
      tpu.enqueue_dma source(%dma_start3A_239 : memref<1x64xf32, #tpu.memory_space<hbm>>) target(%dma_start3A_237 : memref<1x64xf32, #tpu.memory_space<vmem>>) target_semaphore(%arg7 : memref<!tpu.dma_semaphore, #tpu.memory_space<semaphore_mem>>)
      %slice3A_240 = vector.extract_strided_slice %get3A_215 {offsets = [2], sizes = [1], strides = [1]} : vector<16xi32> to vector<1xi32>
      %squeeze3A_241 = vector.extract %slice3A_240[0] : i32 from vector<1xi32>
      %add3A_242 = arith.constant 2 : i32
      %add3A_243 = arith.addi %mul3A_212, %add3A_242 : i32
      %dma_start3A_244 = arith.constant 0 : i32
      %dma_start3A_245 = tpu.memref_slice %arg6[%add3A_243, %dma_start3A_244] : memref<512x64xf32, #tpu.memory_space<vmem>> -> memref<1x64xf32, #tpu.memory_space<vmem>>
      %dma_start3A_246 = arith.constant 0 : i32
      %dma_start3A_247 = tpu.memref_slice %arg3[%squeeze3A_241, %dma_start3A_246] : memref<1000000x64xf32, #tpu.memory_space<hbm>> -> memref<1x64xf32, #tpu.memory_space<hbm>>
      %dma_start3A_248 = arith.constant 0 : i32
      %dma_start3A_249 = tpu.memref_slice %arg6[%add3A_243, %dma_start3A_248] : memref<512x64xf32, #tpu.memory_space<vmem>> -> memref<1x64xf32, #tpu.memory_space<vmem>>
      %dma_start3A_250 = arith.constant 0 : i32
      %dma_start3A_251 = tpu.memref_slice %arg3[%squeeze3A_241, %dma_start3A_250] : memref<1000000x64xf32, #tpu.memory_space<hbm>> -> memref<1x64xf32, #tpu.memory_space<hbm>>
      tpu.enqueue_dma source(%dma_start3A_251 : memref<1x64xf32, #tpu.memory_space<hbm>>) target(%dma_start3A_249 : memref<1x64xf32, #tpu.memory_space<vmem>>) target_semaphore(%arg7 : memref<!tpu.dma_semaphore, #tpu.memory_space<semaphore_mem>>)
      %slice3A_252 = vector.extract_strided_slice %get3A_215 {offsets = [3], sizes = [1], strides = [1]} : vector<16xi32> to vector<1xi32>
      %squeeze3A_253 = vector.extract %slice3A_252[0] : i32 from vector<1xi32>
      %add3A_254 = arith.constant 3 : i32
      %add3A_255 = arith.addi %mul3A_212, %add3A_254 : i32
      %dma_start3A_256 = arith.constant 0 : i32
      %dma_start3A_257 = tpu.memref_slice %arg6[%add3A_255, %dma_start3A_256] : memref<512x64xf32, #tpu.memory_space<vmem>> -> memref<1x64xf32, #tpu.memory_space<vmem>>
      %dma_start3A_258 = arith.constant 0 : i32
      %dma_start3A_259 = tpu.memref_slice %arg3[%squeeze3A_253, %dma_start3A_258] : memref<1000000x64xf32, #tpu.memory_space<hbm>> -> memref<1x64xf32, #tpu.memory_space<hbm>>
      %dma_start3A_260 = arith.constant 0 : i32
      %dma_start3A_261 = tpu.memref_slice %arg6[%add3A_255, %dma_start3A_260] : memref<512x64xf32, #tpu.memory_space<vmem>> -> memref<1x64xf32, #tpu.memory_space<vmem>>
      %dma_start3A_262 = arith.constant 0 : i32
      %dma_start3A_263 = tpu.memref_slice %arg3[%squeeze3A_253, %dma_start3A_262] : memref<1000000x64xf32, #tpu.memory_space<hbm>> -> memref<1x64xf32, #tpu.memory_space<hbm>>
      tpu.enqueue_dma source(%dma_start3A_263 : memref<1x64xf32, #tpu.memory_space<hbm>>) target(%dma_start3A_261 : memref<1x64xf32, #tpu.memory_space<vmem>>) target_semaphore(%arg7 : memref<!tpu.dma_semaphore, #tpu.memory_space<semaphore_mem>>)
      %slice3A_264 = vector.extract_strided_slice %get3A_215 {offsets = [4], sizes = [1], strides = [1]} : vector<16xi32> to vector<1xi32>
      %squeeze3A_265 = vector.extract %slice3A_264[0] : i32 from vector<1xi32>
      %add3A_266 = arith.constant 4 : i32
      %add3A_267 = arith.addi %mul3A_212, %add3A_266 : i32
      %dma_start3A_268 = arith.constant 0 : i32
      %dma_start3A_269 = tpu.memref_slice %arg6[%add3A_267, %dma_start3A_268] : memref<512x64xf32, #tpu.memory_space<vmem>> -> memref<1x64xf32, #tpu.memory_space<vmem>>
      %dma_start3A_270 = arith.constant 0 : i32
      %dma_start3A_271 = tpu.memref_slice %arg3[%squeeze3A_265, %dma_start3A_270] : memref<1000000x64xf32, #tpu.memory_space<hbm>> -> memref<1x64xf32, #tpu.memory_space<hbm>>
      %dma_start3A_272 = arith.constant 0 : i32
      %dma_start3A_273 = tpu.memref_slice %arg6[%add3A_267, %dma_start3A_272] : memref<512x64xf32, #tpu.memory_space<vmem>> -> memref<1x64xf32, #tpu.memory_space<vmem>>
      %dma_start3A_274 = arith.constant 0 : i32
      %dma_start3A_275 = tpu.memref_slice %arg3[%squeeze3A_265, %dma_start3A_274] : memref<1000000x64xf32, #tpu.memory_space<hbm>> -> memref<1x64xf32, #tpu.memory_space<hbm>>
      tpu.enqueue_dma source(%dma_start3A_275 : memref<1x64xf32, #tpu.memory_space<hbm>>) target(%dma_start3A_273 : memref<1x64xf32, #tpu.memory_space<vmem>>) target_semaphore(%arg7 : memref<!tpu.dma_semaphore, #tpu.memory_space<semaphore_mem>>)
      %slice3A_276 = vector.extract_strided_slice %get3A_215 {offsets = [5], sizes = [1], strides = [1]} : vector<16xi32> to vector<1xi32>
      %squeeze3A_277 = vector.extract %slice3A_276[0] : i32 from vector<1xi32>
      %add3A_278 = arith.constant 5 : i32
      %add3A_279 = arith.addi %mul3A_212, %add3A_278 : i32
      %dma_start3A_280 = arith.constant 0 : i32
      %dma_start3A_281 = tpu.memref_slice %arg6[%add3A_279, %dma_start3A_280] : memref<512x64xf32, #tpu.memory_space<vmem>> -> memref<1x64xf32, #tpu.memory_space<vmem>>
      %dma_start3A_282 = arith.constant 0 : i32
      %dma_start3A_283 = tpu.memref_slice %arg3[%squeeze3A_277, %dma_start3A_282] : memref<1000000x64xf32, #tpu.memory_space<hbm>> -> memref<1x64xf32, #tpu.memory_space<hbm>>
      %dma_start3A_284 = arith.constant 0 : i32
      %dma_start3A_285 = tpu.memref_slice %arg6[%add3A_279, %dma_start3A_284] : memref<512x64xf32, #tpu.memory_space<vmem>> -> memref<1x64xf32, #tpu.memory_space<vmem>>
      %dma_start3A_286 = arith.constant 0 : i32
      %dma_start3A_287 = tpu.memref_slice %arg3[%squeeze3A_277, %dma_start3A_286] : memref<1000000x64xf32, #tpu.memory_space<hbm>> -> memref<1x64xf32, #tpu.memory_space<hbm>>
      tpu.enqueue_dma source(%dma_start3A_287 : memref<1x64xf32, #tpu.memory_space<hbm>>) target(%dma_start3A_285 : memref<1x64xf32, #tpu.memory_space<vmem>>) target_semaphore(%arg7 : memref<!tpu.dma_semaphore, #tpu.memory_space<semaphore_mem>>)
      %slice3A_288 = vector.extract_strided_slice %get3A_215 {offsets = [6], sizes = [1], strides = [1]} : vector<16xi32> to vector<1xi32>
      %squeeze3A_289 = vector.extract %slice3A_288[0] : i32 from vector<1xi32>
      %add3A_290 = arith.constant 6 : i32
      %add3A_291 = arith.addi %mul3A_212, %add3A_290 : i32
      %dma_start3A_292 = arith.constant 0 : i32
      %dma_start3A_293 = tpu.memref_slice %arg6[%add3A_291, %dma_start3A_292] : memref<512x64xf32, #tpu.memory_space<vmem>> -> memref<1x64xf32, #tpu.memory_space<vmem>>
      %dma_start3A_294 = arith.constant 0 : i32
      %dma_start3A_295 = tpu.memref_slice %arg3[%squeeze3A_289, %dma_start3A_294] : memref<1000000x64xf32, #tpu.memory_space<hbm>> -> memref<1x64xf32, #tpu.memory_space<hbm>>
      %dma_start3A_296 = arith.constant 0 : i32
      %dma_start3A_297 = tpu.memref_slice %arg6[%add3A_291, %dma_start3A_296] : memref<512x64xf32, #tpu.memory_space<vmem>> -> memref<1x64xf32, #tpu.memory_space<vmem>>
      %dma_start3A_298 = arith.constant 0 : i32
      %dma_start3A_299 = tpu.memref_slice %arg3[%squeeze3A_289, %dma_start3A_298] : memref<1000000x64xf32, #tpu.memory_space<hbm>> -> memref<1x64xf32, #tpu.memory_space<hbm>>
      tpu.enqueue_dma source(%dma_start3A_299 : memref<1x64xf32, #tpu.memory_space<hbm>>) target(%dma_start3A_297 : memref<1x64xf32, #tpu.memory_space<vmem>>) target_semaphore(%arg7 : memref<!tpu.dma_semaphore, #tpu.memory_space<semaphore_mem>>)
      %slice3A_300 = vector.extract_strided_slice %get3A_215 {offsets = [7], sizes = [1], strides = [1]} : vector<16xi32> to vector<1xi32>
      %squeeze3A_301 = vector.extract %slice3A_300[0] : i32 from vector<1xi32>
      %add3A_302 = arith.constant 7 : i32
      %add3A_303 = arith.addi %mul3A_212, %add3A_302 : i32
      %dma_start3A_304 = arith.constant 0 : i32
      %dma_start3A_305 = tpu.memref_slice %arg6[%add3A_303, %dma_start3A_304] : memref<512x64xf32, #tpu.memory_space<vmem>> -> memref<1x64xf32, #tpu.memory_space<vmem>>
      %dma_start3A_306 = arith.constant 0 : i32
      %dma_start3A_307 = tpu.memref_slice %arg3[%squeeze3A_301, %dma_start3A_306] : memref<1000000x64xf32, #tpu.memory_space<hbm>> -> memref<1x64xf32, #tpu.memory_space<hbm>>
      %dma_start3A_308 = arith.constant 0 : i32
      %dma_start3A_309 = tpu.memref_slice %arg6[%add3A_303, %dma_start3A_308] : memref<512x64xf32, #tpu.memory_space<vmem>> -> memref<1x64xf32, #tpu.memory_space<vmem>>
      %dma_start3A_310 = arith.constant 0 : i32
      %dma_start3A_311 = tpu.memref_slice %arg3[%squeeze3A_301, %dma_start3A_310] : memref<1000000x64xf32, #tpu.memory_space<hbm>> -> memref<1x64xf32, #tpu.memory_space<hbm>>
      tpu.enqueue_dma source(%dma_start3A_311 : memref<1x64xf32, #tpu.memory_space<hbm>>) target(%dma_start3A_309 : memref<1x64xf32, #tpu.memory_space<vmem>>) target_semaphore(%arg7 : memref<!tpu.dma_semaphore, #tpu.memory_space<semaphore_mem>>)
      %slice3A_312 = vector.extract_strided_slice %get3A_215 {offsets = [8], sizes = [1], strides = [1]} : vector<16xi32> to vector<1xi32>
      %squeeze3A_313 = vector.extract %slice3A_312[0] : i32 from vector<1xi32>
      %add3A_314 = arith.constant 8 : i32
      %add3A_315 = arith.addi %mul3A_212, %add3A_314 : i32
      %dma_start3A_316 = arith.constant 0 : i32
      %dma_start3A_317 = tpu.memref_slice %arg6[%add3A_315, %dma_start3A_316] : memref<512x64xf32, #tpu.memory_space<vmem>> -> memref<1x64xf32, #tpu.memory_space<vmem>>
      %dma_start3A_318 = arith.constant 0 : i32
      %dma_start3A_319 = tpu.memref_slice %arg3[%squeeze3A_313, %dma_start3A_318] : memref<1000000x64xf32, #tpu.memory_space<hbm>> -> memref<1x64xf32, #tpu.memory_space<hbm>>
      %dma_start3A_320 = arith.constant 0 : i32
      %dma_start3A_321 = tpu.memref_slice %arg6[%add3A_315, %dma_start3A_320] : memref<512x64xf32, #tpu.memory_space<vmem>> -> memref<1x64xf32, #tpu.memory_space<vmem>>
      %dma_start3A_322 = arith.constant 0 : i32
      %dma_start3A_323 = tpu.memref_slice %arg3[%squeeze3A_313, %dma_start3A_322] : memref<1000000x64xf32, #tpu.memory_space<hbm>> -> memref<1x64xf32, #tpu.memory_space<hbm>>
      tpu.enqueue_dma source(%dma_start3A_323 : memref<1x64xf32, #tpu.memory_space<hbm>>) target(%dma_start3A_321 : memref<1x64xf32, #tpu.memory_space<vmem>>) target_semaphore(%arg7 : memref<!tpu.dma_semaphore, #tpu.memory_space<semaphore_mem>>)
      %slice3A_324 = vector.extract_strided_slice %get3A_215 {offsets = [9], sizes = [1], strides = [1]} : vector<16xi32> to vector<1xi32>
      %squeeze3A_325 = vector.extract %slice3A_324[0] : i32 from vector<1xi32>
      %add3A_326 = arith.constant 9 : i32
      %add3A_327 = arith.addi %mul3A_212, %add3A_326 : i32
      %dma_start3A_328 = arith.constant 0 : i32
      %dma_start3A_329 = tpu.memref_slice %arg6[%add3A_327, %dma_start3A_328] : memref<512x64xf32, #tpu.memory_space<vmem>> -> memref<1x64xf32, #tpu.memory_space<vmem>>
      %dma_start3A_330 = arith.constant 0 : i32
      %dma_start3A_331 = tpu.memref_slice %arg3[%squeeze3A_325, %dma_start3A_330] : memref<1000000x64xf32, #tpu.memory_space<hbm>> -> memref<1x64xf32, #tpu.memory_space<hbm>>
      %dma_start3A_332 = arith.constant 0 : i32
      %dma_start3A_333 = tpu.memref_slice %arg6[%add3A_327, %dma_start3A_332] : memref<512x64xf32, #tpu.memory_space<vmem>> -> memref<1x64xf32, #tpu.memory_space<vmem>>
      %dma_start3A_334 = arith.constant 0 : i32
      %dma_start3A_335 = tpu.memref_slice %arg3[%squeeze3A_325, %dma_start3A_334] : memref<1000000x64xf32, #tpu.memory_space<hbm>> -> memref<1x64xf32, #tpu.memory_space<hbm>>
      tpu.enqueue_dma source(%dma_start3A_335 : memref<1x64xf32, #tpu.memory_space<hbm>>) target(%dma_start3A_333 : memref<1x64xf32, #tpu.memory_space<vmem>>) target_semaphore(%arg7 : memref<!tpu.dma_semaphore, #tpu.memory_space<semaphore_mem>>)
      %slice3A_336 = vector.extract_strided_slice %get3A_215 {offsets = [10], sizes = [1], strides = [1]} : vector<16xi32> to vector<1xi32>
      %squeeze3A_337 = vector.extract %slice3A_336[0] : i32 from vector<1xi32>
      %add3A_338 = arith.constant 10 : i32
      %add3A_339 = arith.addi %mul3A_212, %add3A_338 : i32
      %dma_start3A_340 = arith.constant 0 : i32
      %dma_start3A_341 = tpu.memref_slice %arg6[%add3A_339, %dma_start3A_340] : memref<512x64xf32, #tpu.memory_space<vmem>> -> memref<1x64xf32, #tpu.memory_space<vmem>>
      %dma_start3A_342 = arith.constant 0 : i32
      %dma_start3A_343 = tpu.memref_slice %arg3[%squeeze3A_337, %dma_start3A_342] : memref<1000000x64xf32, #tpu.memory_space<hbm>> -> memref<1x64xf32, #tpu.memory_space<hbm>>
      %dma_start3A_344 = arith.constant 0 : i32
      %dma_start3A_345 = tpu.memref_slice %arg6[%add3A_339, %dma_start3A_344] : memref<512x64xf32, #tpu.memory_space<vmem>> -> memref<1x64xf32, #tpu.memory_space<vmem>>
      %dma_start3A_346 = arith.constant 0 : i32
      %dma_start3A_347 = tpu.memref_slice %arg3[%squeeze3A_337, %dma_start3A_346] : memref<1000000x64xf32, #tpu.memory_space<hbm>> -> memref<1x64xf32, #tpu.memory_space<hbm>>
      tpu.enqueue_dma source(%dma_start3A_347 : memref<1x64xf32, #tpu.memory_space<hbm>>) target(%dma_start3A_345 : memref<1x64xf32, #tpu.memory_space<vmem>>) target_semaphore(%arg7 : memref<!tpu.dma_semaphore, #tpu.memory_space<semaphore_mem>>)
      %slice3A_348 = vector.extract_strided_slice %get3A_215 {offsets = [11], sizes = [1], strides = [1]} : vector<16xi32> to vector<1xi32>
      %squeeze3A_349 = vector.extract %slice3A_348[0] : i32 from vector<1xi32>
      %add3A_350 = arith.constant 11 : i32
      %add3A_351 = arith.addi %mul3A_212, %add3A_350 : i32
      %dma_start3A_352 = arith.constant 0 : i32
      %dma_start3A_353 = tpu.memref_slice %arg6[%add3A_351, %dma_start3A_352] : memref<512x64xf32, #tpu.memory_space<vmem>> -> memref<1x64xf32, #tpu.memory_space<vmem>>
      %dma_start3A_354 = arith.constant 0 : i32
      %dma_start3A_355 = tpu.memref_slice %arg3[%squeeze3A_349, %dma_start3A_354] : memref<1000000x64xf32, #tpu.memory_space<hbm>> -> memref<1x64xf32, #tpu.memory_space<hbm>>
      %dma_start3A_356 = arith.constant 0 : i32
      %dma_start3A_357 = tpu.memref_slice %arg6[%add3A_351, %dma_start3A_356] : memref<512x64xf32, #tpu.memory_space<vmem>> -> memref<1x64xf32, #tpu.memory_space<vmem>>
      %dma_start3A_358 = arith.constant 0 : i32
      %dma_start3A_359 = tpu.memref_slice %arg3[%squeeze3A_349, %dma_start3A_358] : memref<1000000x64xf32, #tpu.memory_space<hbm>> -> memref<1x64xf32, #tpu.memory_space<hbm>>
      tpu.enqueue_dma source(%dma_start3A_359 : memref<1x64xf32, #tpu.memory_space<hbm>>) target(%dma_start3A_357 : memref<1x64xf32, #tpu.memory_space<vmem>>) target_semaphore(%arg7 : memref<!tpu.dma_semaphore, #tpu.memory_space<semaphore_mem>>)
      %slice3A_360 = vector.extract_strided_slice %get3A_215 {offsets = [12], sizes = [1], strides = [1]} : vector<16xi32> to vector<1xi32>
      %squeeze3A_361 = vector.extract %slice3A_360[0] : i32 from vector<1xi32>
      %add3A_362 = arith.constant 12 : i32
      %add3A_363 = arith.addi %mul3A_212, %add3A_362 : i32
      %dma_start3A_364 = arith.constant 0 : i32
      %dma_start3A_365 = tpu.memref_slice %arg6[%add3A_363, %dma_start3A_364] : memref<512x64xf32, #tpu.memory_space<vmem>> -> memref<1x64xf32, #tpu.memory_space<vmem>>
      %dma_start3A_366 = arith.constant 0 : i32
      %dma_start3A_367 = tpu.memref_slice %arg3[%squeeze3A_361, %dma_start3A_366] : memref<1000000x64xf32, #tpu.memory_space<hbm>> -> memref<1x64xf32, #tpu.memory_space<hbm>>
      %dma_start3A_368 = arith.constant 0 : i32
      %dma_start3A_369 = tpu.memref_slice %arg6[%add3A_363, %dma_start3A_368] : memref<512x64xf32, #tpu.memory_space<vmem>> -> memref<1x64xf32, #tpu.memory_space<vmem>>
      %dma_start3A_370 = arith.constant 0 : i32
      %dma_start3A_371 = tpu.memref_slice %arg3[%squeeze3A_361, %dma_start3A_370] : memref<1000000x64xf32, #tpu.memory_space<hbm>> -> memref<1x64xf32, #tpu.memory_space<hbm>>
      tpu.enqueue_dma source(%dma_start3A_371 : memref<1x64xf32, #tpu.memory_space<hbm>>) target(%dma_start3A_369 : memref<1x64xf32, #tpu.memory_space<vmem>>) target_semaphore(%arg7 : memref<!tpu.dma_semaphore, #tpu.memory_space<semaphore_mem>>)
      %slice3A_372 = vector.extract_strided_slice %get3A_215 {offsets = [13], sizes = [1], strides = [1]} : vector<16xi32> to vector<1xi32>
      %squeeze3A_373 = vector.extract %slice3A_372[0] : i32 from vector<1xi32>
      %add3A_374 = arith.constant 13 : i32
      %add3A_375 = arith.addi %mul3A_212, %add3A_374 : i32
      %dma_start3A_376 = arith.constant 0 : i32
      %dma_start3A_377 = tpu.memref_slice %arg6[%add3A_375, %dma_start3A_376] : memref<512x64xf32, #tpu.memory_space<vmem>> -> memref<1x64xf32, #tpu.memory_space<vmem>>
      %dma_start3A_378 = arith.constant 0 : i32
      %dma_start3A_379 = tpu.memref_slice %arg3[%squeeze3A_373, %dma_start3A_378] : memref<1000000x64xf32, #tpu.memory_space<hbm>> -> memref<1x64xf32, #tpu.memory_space<hbm>>
      %dma_start3A_380 = arith.constant 0 : i32
      %dma_start3A_381 = tpu.memref_slice %arg6[%add3A_375, %dma_start3A_380] : memref<512x64xf32, #tpu.memory_space<vmem>> -> memref<1x64xf32, #tpu.memory_space<vmem>>
      %dma_start3A_382 = arith.constant 0 : i32
      %dma_start3A_383 = tpu.memref_slice %arg3[%squeeze3A_373, %dma_start3A_382] : memref<1000000x64xf32, #tpu.memory_space<hbm>> -> memref<1x64xf32, #tpu.memory_space<hbm>>
      tpu.enqueue_dma source(%dma_start3A_383 : memref<1x64xf32, #tpu.memory_space<hbm>>) target(%dma_start3A_381 : memref<1x64xf32, #tpu.memory_space<vmem>>) target_semaphore(%arg7 : memref<!tpu.dma_semaphore, #tpu.memory_space<semaphore_mem>>)
      %slice3A_384 = vector.extract_strided_slice %get3A_215 {offsets = [14], sizes = [1], strides = [1]} : vector<16xi32> to vector<1xi32>
      %squeeze3A_385 = vector.extract %slice3A_384[0] : i32 from vector<1xi32>
      %add3A_386 = arith.constant 14 : i32
      %add3A_387 = arith.addi %mul3A_212, %add3A_386 : i32
      %dma_start3A_388 = arith.constant 0 : i32
      %dma_start3A_389 = tpu.memref_slice %arg6[%add3A_387, %dma_start3A_388] : memref<512x64xf32, #tpu.memory_space<vmem>> -> memref<1x64xf32, #tpu.memory_space<vmem>>
      %dma_start3A_390 = arith.constant 0 : i32
      %dma_start3A_391 = tpu.memref_slice %arg3[%squeeze3A_385, %dma_start3A_390] : memref<1000000x64xf32, #tpu.memory_space<hbm>> -> memref<1x64xf32, #tpu.memory_space<hbm>>
      %dma_start3A_392 = arith.constant 0 : i32
      %dma_start3A_393 = tpu.memref_slice %arg6[%add3A_387, %dma_start3A_392] : memref<512x64xf32, #tpu.memory_space<vmem>> -> memref<1x64xf32, #tpu.memory_space<vmem>>
      %dma_start3A_394 = arith.constant 0 : i32
      %dma_start3A_395 = tpu.memref_slice %arg3[%squeeze3A_385, %dma_start3A_394] : memref<1000000x64xf32, #tpu.memory_space<hbm>> -> memref<1x64xf32, #tpu.memory_space<hbm>>
      tpu.enqueue_dma source(%dma_start3A_395 : memref<1x64xf32, #tpu.memory_space<hbm>>) target(%dma_start3A_393 : memref<1x64xf32, #tpu.memory_space<vmem>>) target_semaphore(%arg7 : memref<!tpu.dma_semaphore, #tpu.memory_space<semaphore_mem>>)
      %slice3A_396 = vector.extract_strided_slice %get3A_215 {offsets = [15], sizes = [1], strides = [1]} : vector<16xi32> to vector<1xi32>
      %squeeze3A_397 = vector.extract %slice3A_396[0] : i32 from vector<1xi32>
      %add3A_398 = arith.constant 15 : i32
      %add3A_399 = arith.addi %mul3A_212, %add3A_398 : i32
      %dma_start3A_400 = arith.constant 0 : i32
      %dma_start3A_401 = tpu.memref_slice %arg6[%add3A_399, %dma_start3A_400] : memref<512x64xf32, #tpu.memory_space<vmem>> -> memref<1x64xf32, #tpu.memory_space<vmem>>
      %dma_start3A_402 = arith.constant 0 : i32
      %dma_start3A_403 = tpu.memref_slice %arg3[%squeeze3A_397, %dma_start3A_402] : memref<1000000x64xf32, #tpu.memory_space<hbm>> -> memref<1x64xf32, #tpu.memory_space<hbm>>
      %dma_start3A_404 = arith.constant 0 : i32
      %dma_start3A_405 = tpu.memref_slice %arg6[%add3A_399, %dma_start3A_404] : memref<512x64xf32, #tpu.memory_space<vmem>> -> memref<1x64xf32, #tpu.memory_space<vmem>>
      %dma_start3A_406 = arith.constant 0 : i32
      %dma_start3A_407 = tpu.memref_slice %arg3[%squeeze3A_397, %dma_start3A_406] : memref<1000000x64xf32, #tpu.memory_space<hbm>> -> memref<1x64xf32, #tpu.memory_space<hbm>>
      tpu.enqueue_dma source(%dma_start3A_407 : memref<1x64xf32, #tpu.memory_space<hbm>>) target(%dma_start3A_405 : memref<1x64xf32, #tpu.memory_space<vmem>>) target_semaphore(%arg7 : memref<!tpu.dma_semaphore, #tpu.memory_space<semaphore_mem>>)
      %sub3A = arith.constant 1 : i32
      %sub3A_408 = arith.subi %scan3A_210, %sub3A : i32
      %mul3A_409 = arith.constant 16 : i32
      %mul3A_410 = arith.muli %sub3A_408, %mul3A_409 : i32
      %dma_wait3A_411 = arith.constant 0 : i32
      %dma_wait3A_412 = tpu.memref_slice %arg6[%mul3A_410, %dma_wait3A_411] : memref<512x64xf32, #tpu.memory_space<vmem>> -> memref<16x64xf32, #tpu.memory_space<vmem>>
      %dma_wait3A_413 = arith.constant 0 : i32
      %dma_wait3A_414 = arith.constant 0 : i32
      %dma_wait3A_415 = tpu.memref_slice %arg3[%dma_wait3A_413, %dma_wait3A_414] : memref<1000000x64xf32, #tpu.memory_space<hbm>> -> memref<16x64xf32, #tpu.memory_space<hbm>>
      %dma_wait3A_416 = arith.constant 0 : i32
      %dma_wait3A_417 = tpu.memref_slice %arg6[%mul3A_410, %dma_wait3A_416] : memref<512x64xf32, #tpu.memory_space<vmem>> -> memref<16x64xf32, #tpu.memory_space<vmem>>
      %dma_wait3A_418 = arith.constant 0 : i32
      %dma_wait3A_419 = arith.constant 0 : i32
      %dma_wait3A_420 = tpu.memref_slice %arg3[%dma_wait3A_418, %dma_wait3A_419] : memref<1000000x64xf32, #tpu.memory_space<hbm>> -> memref<16x64xf32, #tpu.memory_space<hbm>>
      tpu.wait_dma2 semaphore(%arg7 : memref<!tpu.dma_semaphore, #tpu.memory_space<semaphore_mem>>) src(%dma_wait3A_420 : memref<16x64xf32, #tpu.memory_space<hbm>>) dst(%dma_wait3A_417 : memref<16x64xf32, #tpu.memory_space<vmem>>)
    }
    %scan3A_198 = arith.constant 31 : i32
    %dma_wait3A = arith.constant 496 : i32
    %dma_wait3A_199 = arith.constant 0 : i32
    %dma_wait3A_200 = tpu.memref_slice %arg6[%dma_wait3A, %dma_wait3A_199] : memref<512x64xf32, #tpu.memory_space<vmem>> -> memref<16x64xf32, #tpu.memory_space<vmem>>
    %dma_wait3A_201 = arith.constant 0 : i32
    %dma_wait3A_202 = arith.constant 0 : i32
    %dma_wait3A_203 = tpu.memref_slice %arg3[%dma_wait3A_201, %dma_wait3A_202] : memref<1000000x64xf32, #tpu.memory_space<hbm>> -> memref<16x64xf32, #tpu.memory_space<hbm>>
    %dma_wait3A_204 = arith.constant 496 : i32
    %dma_wait3A_205 = arith.constant 0 : i32
    %dma_wait3A_206 = tpu.memref_slice %arg6[%dma_wait3A_204, %dma_wait3A_205] : memref<512x64xf32, #tpu.memory_space<vmem>> -> memref<16x64xf32, #tpu.memory_space<vmem>>
    %dma_wait3A_207 = arith.constant 0 : i32
    %dma_wait3A_208 = arith.constant 0 : i32
    %dma_wait3A_209 = tpu.memref_slice %arg3[%dma_wait3A_207, %dma_wait3A_208] : memref<1000000x64xf32, #tpu.memory_space<hbm>> -> memref<16x64xf32, #tpu.memory_space<hbm>>
    tpu.wait_dma2 semaphore(%arg7 : memref<!tpu.dma_semaphore, #tpu.memory_space<semaphore_mem>>) src(%dma_wait3A_209 : memref<16x64xf32, #tpu.memory_space<hbm>>) dst(%dma_wait3A_206 : memref<16x64xf32, #tpu.memory_space<vmem>>)
    "tpu.region"() ({
      %run_scoped3A = tpu.sem_alloc : memref<!tpu.dma_semaphore, #tpu.memory_space<semaphore_mem>>
      %dma_start3A_210 = arith.constant 0 : i32
      %dma_start3A_211 = tpu.memref_slice %arg4[%mul3A_2, %dma_start3A_210] : memref<16384x64xf32, #tpu.memory_space<hbm>> -> memref<512x64xf32, #tpu.memory_space<hbm>>
      %dma_start3A_212 = arith.constant 0 : i32
      %dma_start3A_213 = tpu.memref_slice %arg4[%mul3A_2, %dma_start3A_212] : memref<16384x64xf32, #tpu.memory_space<hbm>> -> memref<512x64xf32, #tpu.memory_space<hbm>>
      tpu.enqueue_dma source(%arg6 : memref<512x64xf32, #tpu.memory_space<vmem>>) target(%dma_start3A_213 : memref<512x64xf32, #tpu.memory_space<hbm>>) target_semaphore(%run_scoped3A : memref<!tpu.dma_semaphore, #tpu.memory_space<semaphore_mem>>)
      %dma_wait3A_214 = arith.constant 0 : i32
      %dma_wait3A_215 = tpu.memref_slice %arg4[%mul3A_2, %dma_wait3A_214] : memref<16384x64xf32, #tpu.memory_space<hbm>> -> memref<512x64xf32, #tpu.memory_space<hbm>>
      %dma_wait3A_216 = arith.constant 0 : i32
      %dma_wait3A_217 = tpu.memref_slice %arg4[%mul3A_2, %dma_wait3A_216] : memref<16384x64xf32, #tpu.memory_space<hbm>> -> memref<512x64xf32, #tpu.memory_space<hbm>>
      tpu.wait_dma2 semaphore(%run_scoped3A : memref<!tpu.dma_semaphore, #tpu.memory_space<semaphore_mem>>) src(%arg6 : memref<512x64xf32, #tpu.memory_space<vmem>>) dst(%dma_wait3A_217 : memref<512x64xf32, #tpu.memory_space<hbm>>)
      tpu.yield
    }) : () -> ()
    return
  }
}

</mosaic_0001>

<sc_bundles>
// kernel: kernel.3.cloned.1.call-start
scs
__scs_entry_jumppad:
0x0: {  	(pc) =	sbr.rel $0x88, $3  }
0x1: {  	(tag) =	ssettag $0x0;
	lr =	simm.s32 $0x1  }
0x2: {  	[smem:$0x3F9F] =	sst lr;
	_ =	strace $0xD0000000  }
0x3: {  	_ = 	snop  }
0x4: {  	_ = 	snop  }
0x5: {  	_ = 	snop  }
0x6: {  	_ = 	snop  }
0x7: {  	_ = 	snop  }
__scs_overlays_trampoline_lowered:
0x8: {  	[smem:$0x3FAE] =	sst s0  }
0x9: {  	[smem:$0x3FAF] =	sst s1  }
0xa: {  	[smem:$0x3FB0] =	sst s2  }
0xb: {  	[smem:$0x3FB1] =	sst s3  }
0xc: {  	[smem:$0x3FB2] =	sst s4  }
0xd: {  	[smem:$0x3FB3] =	sst s5  }
0xe: {  	[smem:$0x3FB4] =	sst s6  }
0xf: {  	[smem:$0x3FB5] =	sst s7  }
0x10: {  	[smem:$0x3FB6] =	sst s8  }
0x11: {  	[smem:$0x3FB7] =	sst s9;
	s0 =	simm.s32 @!p0 $0x0  }
0x12: {  	s1 =	sld [smem:$0x3F9D];
	s0 =	simm.s32 @p0 $0x1  }
0x13: {  	[smem:$0x3FB8] =	sst s0;
	s0 =	simm.s32 @!p1 $0x0  }
0x14: {  	s2 =	sld [smem:$0x3F9C];
	s0 =	simm.s32 @p1 $0x1  }
0x15: {  	[smem:$0x3FB9] =	sst s0;
	s0 =	simm.s32 @!p2 $0x0  }
0x16: {  	s3 =	sld [smem:$0x3FDB];
	s0 =	simm.s32 @p2 $0x1  }
0x17: {  	s4 =	simm.s32 $0x1BF5;
	[smem:$0x3FBB] =	sst s0  }
0x18: {  	s0 =	sld [smem:$0x3F9E];
	_ =	swait.ge [sflag:s4], $0x0  }
0x19: {  	s7 =	sld [smem:$0x3F9F]  }
0x1a: {  	s8 =	sadd.s32 $0xFFFFE003, lr  }
0x1b: {  	s9 =	sadd.s32 $0xFFFFFEF7, lr;
	s5 =	simm.s32 $0xFFFFFFFF;
	p2 =	slt.u32 s8, $0xFFFFF086  }
0x1c: {  	p1 =	slt.u32 s9, $0xF7A;
	s5 =	simm.s32 @!p2 $0x0  }
0x1d: {  	s5 =	simm.s32 @p1 $0x1;
	p0 =	seq.s32 s7, s2  }
0x1e: {  	s7 =	smul.u32 @!p0 $0xF7A, s2;
	p2 =	seq.s32 @!p0 s5, $0x0  }
0x1f: {  	s9 =	smul.u32 $0xF7A, s1;
	s8 =	simm.s32 @!p0 $0x1BF5;
	p2 =	por !p2, p0  }
0x20: {  	[sflag:s8] =	ssyncset.s32 @!p0 $0xFFFFF086;
	s6 =	sadd.s32 @!p0 s3, s7;
	s7 =	simm.s32 @!p0 $0x108  }
0x21: {  	s3 =	sadd.s32 s3, s9;
	s6 =	sadd.s32 @!p0 $0x88, s6;
	s7 =	simm.s32 @p2 $0x1082  }
0x22: {  	[simem:s7], [sflag:s8] =	dma.local @!p0 [hbm:s6], $0xF7A  }
0x23: {  	s9 =	sor.u32 $0xD0000000, s2;
	s6 =	simm.s32 $0x108;
	_ =	swait.ge @!p0 [sflag:s8], $0x0  }
0x24: {  	s3 =	sadd.s32 $0x88, s3;
	s6 =	simm.s32 @!p1 $0x1082;
	[sflag:s4] =	ssyncset.s32 $0xFFFFF086  }
0x25: {  	[simem:s6], [sflag:s4] =	dma.local [hbm:s3], $0xF7A  }
0x26: {  	[smem:$0x3F9F] =	sst s1;
	(tag) =	ssettag s2;
	_ =	strace s9  }
0x27: {  	s1 =	sld [smem:$0x3FAF]  }
0x28: {  	s2 =	sld [smem:$0x3FB0]  }
0x29: {  	s4 =	sld [smem:$0x3FB2]  }
0x2a: {  	p0 =	seq.s32 s5, $0x0;
	s5 =	sld [smem:$0x3FB3]  }
0x2b: {  	s6 =	sld [smem:$0x3FB4]  }
0x2c: {  	s7 =	sld [smem:$0x3FB5]  }
0x2d: {  	s3 =	simm.s32 $0x108;
	s8 =	sld [smem:$0x3FB6]  }
0x2e: {  	s3 =	simm.s32 @!p0 $0x1082;
	s9 =	sld [smem:$0x3FB7]  }
0x2f: {  	lr =	sadd.s32 s0, s3;
	s0 =	sld [smem:$0x3FAE]  }
0x30: {  	s3 =	sld [smem:$0x3FB1]  }
0x31: {  	[smem:$0x3FBA] =	sst s10  }
0x32: {  	s10 =	sld [smem:$0x3FB8];
	_ =	sdelay $0x3  }
0x33: {  	p0 =	seq.s32 s10, $0x1;
	s10 =	sld [smem:$0x3FBA];
	_ =	sdelay $0x3  }
0x34: {  	[smem:$0x3FBA] =	sst s10  }
0x35: {  	s10 =	sld [smem:$0x3FB9];
	_ =	sdelay $0x3  }
0x36: {  	p1 =	seq.s32 s10, $0x1;
	s10 =	sld [smem:$0x3FBA];
	_ =	sdelay $0x3  }
0x37: {  	[smem:$0x3FBA] =	sst s10  }
0x38: {  	s10 =	sld [smem:$0x3FBB]  }
0x39: {  	_ = 	snop;
	(pc) =	sbr.ind lr, $3  }
0x3a: {  	_ = 	snop  }
0x3b: {  	_ = 	snop  }
0x3c: {  	p2 =	seq.s32 s10, $0x1;
	s10 =	sld [smem:$0x3FBA]  }
0x3d: {  	_ =	shalt  }
0x3e: {  	_ =	shalt  }
0x3f: {  	_ =	shalt  }
0x40: {  	_ =	shalt  }
0x41: {  	_ =	shalt  }
0x42: {  	_ =	shalt  }
0x43: {  	_ =	shalt  }
0x44: {  	_ =	shalt  }
0x45: {  	_ =	shalt  }
0x46: {  	_ =	shalt  }
0x47: {  	_ =	shalt  }
0x48: {  	_ =	shalt  }
0x49: {  	_ =	shalt  }
0x4a: {  	_ =	shalt  }
0x4b: {  	_ =	shalt  }
0x4c: {  	_ =	shalt  }
0x4d: {  	_ =	shalt  }
0x4e: {  	_ =	shalt  }
0x4f: {  	_ =	shalt  }
0x50: {  	_ =	shalt  }
0x51: {  	_ =	shalt  }
0x52: {  	_ =	shalt  }
0x53: {  	_ =	shalt  }
0x54: {  	_ =	shalt  }
0x55: {  	_ =	shalt  }
0x56: {  	_ =	shalt  }
0x57: {  	_ =	shalt  }
0x58: {  	_ =	shalt  }
0x59: {  	_ =	shalt  }
0x5a: {  	_ =	shalt  }
0x5b: {  	_ =	shalt  }
0x5c: {  	_ =	shalt  }
0x5d: {  	_ =	shalt  }
0x5e: {  	_ =	shalt  }
0x5f: {  	_ =	shalt  }
0x60: {  	_ =	shalt  }
0x61: {  	_ =	shalt  }
0x62: {  	_ =	shalt  }
0x63: {  	_ =	shalt  }
0x64: {  	_ =	shalt  }
0x65: {  	_ =	shalt  }
0x66: {  	_ =	shalt  }
0x67: {  	_ =	shalt  }
0x68: {  	_ =	shalt  }
0x69: {  	_ =	shalt  }
0x6a: {  	_ =	shalt  }
0x6b: {  	_ =	shalt  }
0x6c: {  	_ =	shalt  }
0x6d: {  	_ =	shalt  }
0x6e: {  	_ =	shalt  }
0x6f: {  	_ =	shalt  }
0x70: {  	_ =	shalt  }
0x71: {  	_ =	shalt  }
0x72: {  	_ =	shalt  }
0x73: {  	_ =	shalt  }
0x74: {  	_ =	shalt  }
0x75: {  	_ =	shalt  }
0x76: {  	_ =	shalt  }
0x77: {  	_ =	shalt  }
0x78: {  	_ =	shalt  }
0x79: {  	_ =	shalt  }
0x7a: {  	_ =	shalt  }
0x7b: {  	_ =	shalt  }
0x7c: {  	_ =	shalt  }
0x7d: {  	_ =	shalt  }
0x7e: {  	_ =	shalt  }
0x7f: {  	_ =	shalt  }
0x80: {  	_ =	shalt  }
0x81: {  	_ =	shalt  }
0x82: {  	_ =	shalt  }
0x83: {  	_ =	shalt  }
0x84: {  	_ =	shalt  }
0x85: {  	_ =	shalt  }
0x86: {  	_ =	shalt  }
0x87: {  	_ =	shalt  }
.Lfunc_end0:
.L_simem_size_0:
called_computation_lowered:
.L_overlay_start_0:
0x88: {  	s2 =	sld [smem:$0x3FD9]  }
0x89: {  	s3 =	sld [smem:$0x3FFE];
	_ =	sdelay $0x1  }
0x8a: {  	s1 =	srdreg.scid  }
0x8b: {  	s0 =	sand.u32 $0x1, s1  }
0x8c: {  	s17 =	sshll.u32 s0, $0xA;
	s2 =	sadd.s32 s3, s2  }
0x8d: {  	s2 =	sadd.s32 s2, s17  }
0x8e: {  	[smem:$0x3FC6] =	sst s2  }
0x8f: {  	_ = 	snop  }
0x90: {  	s2 =	sld [smem:$0x3FC9];
	(tm) =	ssettm $0x1  }
0x91: {  	s18 =	sld [smem:$0x3FFB];
	_ =	sdelay $0x3  }
0x92: {  	_ =	strace s18  }
0x93: {  	s3 =	sld [smem:$0x3FFC];
	_ =	sdelay $0x3  }
0x94: {  	_ =	strace s3  }
0x95: {  	s3 =	sld [smem:$0x3FFD];
	_ =	sdelay $0x3  }
0x96: {  	_ =	strace s3  }
0x97: {  	_ =	strace $0x8FFFFFFF  }
0x98: {  	s19 =	sld [smem:$0x3FDB];
	_ =	sdelay $0x1  }
0x99: {  	s4 =	simm.s32 $_scs_section_size  }
0x9a: {  	s5 =	simm.s32 $_size__tile_overlayer_lowered;
	s6 =	simm.s32 $_tile_overlayer_lowered  }
0x9b: {  	s22 =	simm.s32 $0x1BFF;
	s21 =	sshll.u32 s6, $0x1;
	s3 =	sadd.s32 s4, s19  }
0x9c: {  	s7 =	simm.s32 $0x0;
	s20 =	sshll.u32 s5, $0x1;
	s5 =	sadd.s32 s21, s3  }
0x9d: {  	[timem:s7], [sflag:s22] =	dma.local [hbm:s5], s20  }
0x9e: {  	_ =	swait.ge [sflag:s22], s20  }
0x9f: {  	s4 =	ssub.s32 $0x0, s20;
	[sflag:s22] =	ssyncset.done $0x0  }
0xa0: {  	[sflag:s22] =	ssyncadd.s32 s4;
	_ =	sdelay $0x1  }
0xa1: {  	s23 =	simm.s32 $0x1B8B  }
0xa2: {  	_ =	swait.ge [sflag:s23], $0x1  }
0xa3: {  	[sflag:s23] =	ssyncset.done $0x0  }
0xa4: {  	s25 =	simm.s32 $0x1B8E;
	s24 =	sld [smem:$0x3FFE];
	[sflag:s23] =	ssyncadd.s32 $0xFFFFFFFF  }
0xa5: {  	s26 =	simm.s32 $execute0_lowered;
	[smem:$0x3FD2] =	sst s25  }
0xa6: {  	s5 =	sshll.u32 s26, $0x1;
	_ =	strace $0x80000046;
	[dreg:$0x1] =	wrdreg $0xFFFFFFFF  }
0xa7: {  	s28 =	simm.s32 $_size_execute0_lowered;
	s3 =	sadd.s32 s3, s5;
	[dreg:$0x0] =	wrdreg $0x0  }
0xa8: {  	s5 =	sshll.u32 s28, $0x1;
	[dreg:$0x2] =	wrdreg s3  }
0xa9: {  	[dreg:$0x3] =	wrdreg s5  }
0xaa: {  	[dreg:$0x4] =	wrdreg $0xC0  }
0xab: {  	_ =	task [dreg:s7], $0x5FFFF  }
0xac: {  	[dreg:$0x1] =	wrdreg $0xFFFFFFFF  }
0xad: {  	[dreg:$0x0] =	wrdreg $0x60  }
0xae: {  	[dreg:$0x2] =	wrdreg s2  }
0xaf: {  	[dreg:$0x3] =	wrdreg s24  }
0xb0: {  	[dreg:$0x4] =	wrdreg $0x9  }
0xb1: {  	_ =	task.clear_ibuf [dreg:s7], $0x5FFFF;
	_ =	strace $0x90000046  }
0xb2: {  	s29 =	simm.s32 $0x9;
	_ =	strace $0x80000048  }
0xb3: {  	_ =	swait.ge [sflag:s29], $0x1  }
0xb4: {  	[sflag:s29] =	ssyncadd.s32 $0xFFFFFFFF  }
0xb5: {  	_ =	strace $0x90000048  }
0xb6: {  	_ =	sfence  }
0xb7: {  	s30 =	sld [smem:$0x0];
	_ =	sdelay $0x2  }
0xb8: {  	s31 =	sshll.u32 s1, $0xD;
	s1 =	sshrl.u32 s1, $0x2  }
0xb9: {  	s3 =	sand.u32 $0x4000, s31;
	s1 =	sadd.s32 s1, s30  }
0xba: {  	s0 =	sor.u32 s3, s0;
	s1 =	sshll.u32 s1, $0x11  }
0xbb: {  	s0 =	sor.u32 s1, s0  }
0xbc: {  	s0 =	sadd.s32 $0x8F2B, s0  }
0xbd: {  	[sflag:s0] =	ssyncadd.remote.s32 $0x1  }
0xbe: {  	_ =	sfence.sel $0xFFFF  }
0xbf: {  	[dreg:$0x0] =	wrdreg $0xFFFFFFFF;
	(pc) =	sbr.abs _section_cstart, $3  }
0xc0: {  	[dreg:$0x1] =	wrdreg $0xFFFFFFFF  }
0xc1: {  	_ =	task.clear_ibuf [dreg:s7], $0x2FFFF;
	_ =	strace $0x9FFFFFFF  }
0xc2: {  	(tm) =	ssettm $0x7FFFFFFF  }
0xc3: {  	_ =	shalt  }
tec
execute0_lowered:
.L_overlay_start_1:
0x0: {  	(tag) =	ssettag $0x1  }
0x1: {  	s0 =	rddreg [dreg:$0x0]  }
0x2: {  	s1 =	rddreg [dreg:$0x1];
	s2 =	simm.s32 $0x0  }
0x3: {  	s3 =	srdreg.scid;
	s5 =	stileid.u32;
	s8 =	simm.s32 $0x200  }
0x4: {  	s22 =	simm.s32 $0x900;
	s23 =	simm.s32 $0x980;
	s24 =	simm.s32 $0x1  }
0x5: {  	s25 =	simm.s32 $0x0;
	[smem:$0x7FF] =	sst s2;
	s4 =	sand.u32 $0x1, s3  }
0x6: {  	s5 =	sshll.u32 s5, $0xA;
	s3 =	sadd.s32 $0x400, s1;
	s6 =	sshll.u32 s4, $0x9  }
0x7: {  	_ =	strace $0x80000047;
	s4 =	ssub.s32 $0x2, s4;
	s5 =	sor.u32 s6, s5  }
0x8: {  	s7 =	sshrl.u32 s4, $0x1;
	s6 =	sshll.u32 s5, $0x4;
	s5 =	sshrl.u32 s5, $0x3  }
0x9: {  	s31 =	ssub.s32 s4, s7;
	s7 =	simm.s32 $0x2;
	s1 =	sadd.s32 s6, s1  }
0xa: {  	s4 =	sadd.s32 s0, s5;
	s6 =	smax.u32 s31, $0x1;
	s5 =	sadd.s32 $0xF42800, s1  }
.LBB2_1:
0xb: {  	[tilespmem:s2], [sflag:$0x2] =	stream.linear.gather [hbm4b:s4+s2], $0x200, $0x38;
	[tilespmem:$0x10200] =	vst v63  }
0xc: {  	_ =	swait.ge [sflag:s7], $0x200  }
0xd: {  	[sflag:s7] =	ssyncset.done $0x0  }
0xe: {  	[sflag:s7] =	ssyncadd.s32 $0xFFFFFE00  }
0xf: {  	v0 =	vld [tilespmem:$0x0];
	_ =	sdelay $0x4  }
0x10: {  	v0 =	vshll.u32 v0, $0x4  }
0x11: {  	(v2sf) =	vpush v0, $0x0;
	_ =	sdelay $0x6  }
0x12: {  	(v2sf) =	vpush v0, $0x1;
	_ =	sdelay $0x2  }
0x13: {  	(v2sf) =	vpush v0, $0x2;
	_ =	sdelay $0x2  }
0x14: {  	(v2sf) =	vpush v0, $0x3;
	_ =	sdelay $0x1  }
0x15: {  	s0 =	spop (v2sf);
	(v2sf) =	vpush v0, $0x4;
	_ =	sdelay $0x1  }
0x16: {  	(v2sf) =	vpush v0, $0x5;
	_ =	sdelay $0x1  }
0x17: {  	(v2sf) =	vpush v0, $0x6;
	_ =	sdelay $0x1  }
0x18: {  	s0 =	sand.u32 $0x1FFFFFF0, s0  }
0x19: {  	s14 =	spop (v2sf);
	s0 =	sadd.s32 s3, s0;
	(v2sf) =	vpush v0, $0x7  }
0x1a: {  	[tilespmem:s8], [sflag:$0x1] =	stream.linear.gather [hbm4b:s0+s2], $0x80, $0x38;
	[tilespmem:$0x10200] =	vst v63  }
0x1b: {  	s0 =	sand.u32 $0x1FFFFFF0, s14  }
0x1c: {  	s1 =	simm.s32 $0x280;
	s15 =	spop (v2sf);
	s0 =	sadd.s32 s3, s0  }
0x1d: {  	[tilespmem:s1], [sflag:$0x1] =	stream.linear.gather [hbm4b:s0+s2], $0x80, $0x38;
	[tilespmem:$0x10200] =	vst v63  }
0x1e: {  	s0 =	sand.u32 $0x1FFFFFF0, s15  }
0x1f: {  	s16 =	simm.s32 $0x300;
	s17 =	spop (v2sf);
	s0 =	sadd.s32 s3, s0  }
0x20: {  	[tilespmem:s16], [sflag:$0x1] =	stream.linear.gather [hbm4b:s0+s2], $0x80, $0x38;
	[tilespmem:$0x10200] =	vst v63  }
0x21: {  	s19 =	spop (v2sf);
	(v2sf) =	vpush v0, $0x8  }
0x22: {  	s0 =	sand.u32 $0x1FFFFFF0, s17  }
0x23: {  	s18 =	simm.s32 $0x380;
	s0 =	sadd.s32 s3, s0;
	s21 =	spop (v2sf);
	(v2sf) =	vpush v0, $0x9  }
0x24: {  	[tilespmem:s18], [sflag:$0x1] =	stream.linear.gather [hbm4b:s0+s2], $0x80, $0x38;
	[tilespmem:$0x10200] =	vst v63  }
0x25: {  	s0 =	sand.u32 $0x1FFFFFF0, s19;
	s30 =	spop (v2sf);
	(v2sf) =	vpush v0, $0xA  }
0x26: {  	s20 =	simm.s32 $0x400;
	s0 =	sadd.s32 s3, s0  }
0x27: {  	[tilespmem:s20], [sflag:$0x1] =	stream.linear.gather [hbm4b:s0+s2], $0x80, $0x38;
	[tilespmem:$0x10200] =	vst v63  }
0x28: {  	s9 =	spop (v2sf);
	(v2sf) =	vpush v0, $0xB  }
0x29: {  	s0 =	sand.u32 $0x1FFFFFF0, s21  }
0x2a: {  	s26 =	simm.s32 $0x480;
	s0 =	sadd.s32 s3, s0  }
0x2b: {  	[tilespmem:s26], [sflag:$0x1] =	stream.linear.gather [hbm4b:s0+s2], $0x80, $0x38;
	[tilespmem:$0x10200] =	vst v63  }
0x2c: {  	s0 =	sand.u32 $0x1FFFFFF0, s30  }
0x2d: {  	s31 =	simm.s32 $0x500;
	s0 =	sadd.s32 s3, s0  }
0x2e: {  	[tilespmem:s31], [sflag:$0x1] =	stream.linear.gather [hbm4b:s0+s2], $0x80, $0x38;
	[tilespmem:$0x10200] =	vst v63  }
0x2f: {  	s0 =	sand.u32 $0x1FFFFFF0, s9  }
0x30: {  	s10 =	simm.s32 $0x580;
	s0 =	sadd.s32 s3, s0;
	s11 =	spop (v2sf);
	(v2sf) =	vpush v0, $0xC  }
0x31: {  	[tilespmem:s10], [sflag:$0x1] =	stream.linear.gather [hbm4b:s0+s2], $0x80, $0x38;
	[tilespmem:$0x10200] =	vst v63  }
0x32: {  	s13 =	spop (v2sf);
	(v2sf) =	vpush v0, $0xD  }
0x33: {  	s0 =	sand.u32 $0x1FFFFFF0, s11  }
0x34: {  	s12 =	simm.s32 $0x600;
	s0 =	sadd.s32 s3, s0;
	s15 =	spop (v2sf)  }
0x35: {  	(v2sf) =	vpush v0, $0xE;
	[tilespmem:s12], [sflag:$0x1] =	stream.linear.gather [hbm4b:s0+s2], $0x80, $0x38;
	[tilespmem:$0x10200] =	vst v63  }
0x36: {  	s0 =	sand.u32 $0x1FFFFFF0, s13  }
0x37: {  	s14 =	simm.s32 $0x680;
	s17 =	spop (v2sf);
	s0 =	sadd.s32 s3, s0  }
0x38: {  	(v2sf) =	vpush v0, $0xF;
	[tilespmem:s14], [sflag:$0x1] =	stream.linear.gather [hbm4b:s0+s2], $0x80, $0x38;
	[tilespmem:$0x10200] =	vst v63  }
0x39: {  	s0 =	sand.u32 $0x1FFFFFF0, s15  }
0x3a: {  	s16 =	simm.s32 $0x700;
	s0 =	sadd.s32 s3, s0  }
0x3b: {  	[tilespmem:s16], [sflag:$0x1] =	stream.linear.gather [hbm4b:s0+s2], $0x80, $0x38;
	[tilespmem:$0x10200] =	vst v63  }
0x3c: {  	s0 =	sand.u32 $0x1FFFFFF0, s17  }
0x3d: {  	s18 =	simm.s32 $0x780;
	s0 =	sadd.s32 s3, s0  }
0x3e: {  	[tilespmem:s18], [sflag:$0x1] =	stream.linear.gather [hbm4b:s0+s2], $0x80, $0x38;
	[tilespmem:$0x10200] =	vst v63  }
0x3f: {  	s19 =	spop (v2sf)  }
0x40: {  	s0 =	sand.u32 $0x1FFFFFF0, s19  }
0x41: {  	s20 =	simm.s32 $0x800;
	s21 =	spop (v2sf);
	s0 =	sadd.s32 s3, s0  }
0x42: {  	[tilespmem:s20], [sflag:$0x1] =	stream.linear.gather [hbm4b:s0+s2], $0x80, $0x38;
	[tilespmem:$0x10200] =	vst v63  }
0x43: {  	s0 =	sand.u32 $0x1FFFFFF0, s21  }
0x44: {  	s26 =	simm.s32 $0x880;
	s30 =	spop (v2sf);
	s0 =	sadd.s32 s3, s0  }
0x45: {  	[tilespmem:s26], [sflag:$0x1] =	stream.linear.gather [hbm4b:s0+s2], $0x80, $0x38;
	[tilespmem:$0x10200] =	vst v63  }
0x46: {  	s0 =	sand.u32 $0x1FFFFFF0, s30  }
0x47: {  	s31 =	spop (v2sf);
	s0 =	sadd.s32 s3, s0  }
0x48: {  	[tilespmem:s22], [sflag:$0x1] =	stream.linear.gather [hbm4b:s0+s2], $0x80, $0x38;
	[tilespmem:$0x10200] =	vst v63  }
0x49: {  	s0 =	sand.u32 $0x1FFFFFF0, s31  }
0x4a: {  	s28 =	simm.s32 $0x10;
	s0 =	sadd.s32 s3, s0  }
0x4b: {  	[tilespmem:s23], [sflag:$0x1] =	stream.linear.gather [hbm4b:s0+s2], $0x80, $0x38;
	[tilespmem:$0x10200] =	vst v63  }
0x4c: {  	v0 =	vld [tilespmem:s28+$0x0];
	_ =	sdelay $0x4  }
0x4d: {  	v0 =	vshll.u32 v0, $0x4  }
0x4e: {  	(v2sf) =	vpush v0, $0x0  }
0x4f: {  	(v2sf) =	vpush v0, $0x1  }
0x50: {  	(v2sf) =	vpush v0, $0x2;
	_ =	sdelay $0x1  }
0x51: {  	(v2sf) =	vpush v0, $0x4;
	_ =	sdelay $0x1  }
0x52: {  	(v2sf) =	vpush v0, $0x3  }
0x53: {  	(v2sf) =	vpush v0, $0x5  }
0x54: {  	s29 =	simm.s32 $0x2000;
	s26 =	simm.s32 $0x0;
	(v2sf) =	vpush v0, $0x6  }
.LBB2_2:
0x55: {  	p0 =	sne.s32 s29, $0x3C000  }
0x56: {  	s14 =	sadd.s32 $0xA80, s26;
	s1 =	sadd.s32 $0xF80, s26;
	s30 =	smov.u32 s29  }
0x57: {  	s29 =	sadd.s32 $0x2000, s29;
	s11 =	sadd.s32 $0xD80, s26;
	s31 =	sadd.s32 $0x1000, s26;
	(v2sf) =	vpush v0, $0x7  }
0x58: {  	s13 =	sadd.s32 $0xC80, s26;
	s10 =	sadd.s32 $0xE00, s26;
	s0 =	sadd.s32 $0x1080, s26  }
0x59: {  	s15 =	sadd.s32 $0xA00, s26;
	s16 =	sadd.s32 $0xC00, s26;
	(v2sf) =	vpush v0, $0x8  }
0x5a: {  	s17 =	sadd.s32 $0xD00, s26  }
0x5b: {  	s18 =	sadd.s32 $0xB00, s26;
	s9 =	sadd.s32 $0xF00, s26;
	s12 =	spop (v2sf);
	(v2sf) =	vpush v0, $0x9  }
0x5c: {  	s19 =	sand.u32 $0x1FFFFFF0, s12;
	s12 =	sadd.s32 $0xE80, s26;
	s20 =	spop (v2sf)  }
0x5d: {  	s19 =	sadd.s32 s3, s19;
	s20 =	sand.u32 $0x1FFFFFF0, s20;
	s21 =	spop (v2sf);
	(v2sf) =	vpush v0, $0xA  }
0x5e: {  	[tilespmem:s15], [sflag:$0x1] =	stream.linear.gather [hbm4b:s19+s2], $0x80, $0x38;
	[tilespmem:$0x10200] =	vst v63  }
0x5f: {  	s15 =	sadd.s32 s3, s20;
	s19 =	sadd.s32 $0xB80, s26;
	s20 =	spop (v2sf);
	(v2sf) =	vpush v0, $0xB  }
0x60: {  	[tilespmem:s14], [sflag:$0x1] =	stream.linear.gather [hbm4b:s15+s2], $0x80, $0x38;
	[tilespmem:$0x10200] =	vst v63  }
0x61: {  	s14 =	sand.u32 $0x1FFFFFF0, s21;
	s15 =	sand.u32 $0x1FFFFFF0, s20;
	s20 =	spop (v2sf);
	(v2sf) =	vpush v0, $0xC  }
0x62: {  	s14 =	sadd.s32 s3, s14;
	s20 =	sand.u32 $0x1FFFFFF0, s20;
	s21 =	spop (v2sf)  }
0x63: {  	[tilespmem:s18], [sflag:$0x1] =	stream.linear.gather [hbm4b:s14+s2], $0x80, $0x38;
	(v2sf) =	vpush v0, $0xD;
	[tilespmem:$0x10200] =	vst v63  }
0x64: {  	s14 =	sadd.s32 s3, s20;
	s18 =	sand.u32 $0x1FFFFFF0, s21;
	s20 =	spop (v2sf)  }
0x65: {  	[tilespmem:s19], [sflag:$0x1] =	stream.linear.gather [hbm4b:s14+s2], $0x80, $0x38;
	(v2sf) =	vpush v0, $0xE;
	[tilespmem:$0x10200] =	vst v63  }
0x66: {  	s14 =	sadd.s32 s3, s15;
	s15 =	sand.u32 $0x1FFFFFF0, s20;
	s19 =	spop (v2sf)  }
0x67: {  	[tilespmem:s16], [sflag:$0x1] =	stream.linear.gather [hbm4b:s14+s2], $0x80, $0x38;
	(v2sf) =	vpush v0, $0xF;
	[tilespmem:$0x10200] =	vst v63  }
0x68: {  	s14 =	sadd.s32 s3, s18;
	s16 =	sand.u32 $0x1FFFFFF0, s19;
	s18 =	spop (v2sf)  }
0x69: {  	[tilespmem:s13], [sflag:$0x1] =	stream.linear.gather [hbm4b:s14+s2], $0x80, $0x38;
	[tilespmem:$0x10200] =	vst v63  }
0x6a: {  	s13 =	sadd.s32 s3, s15;
	s14 =	sand.u32 $0x1FFFFFF0, s18;
	s15 =	spop (v2sf)  }
0x6b: {  	[tilespmem:s17], [sflag:$0x1] =	stream.linear.gather [hbm4b:s13+s2], $0x80, $0x38;
	[tilespmem:$0x10200] =	vst v63  }
0x6c: {  	s13 =	sadd.s32 s3, s16;
	s15 =	sand.u32 $0x1FFFFFF0, s15;
	s16 =	spop (v2sf)  }
0x6d: {  	[tilespmem:s11], [sflag:$0x1] =	stream.linear.gather [hbm4b:s13+s2], $0x80, $0x38;
	[tilespmem:$0x10200] =	vst v63  }
0x6e: {  	s11 =	sadd.s32 s3, s14;
	s13 =	sand.u32 $0x1FFFFFF0, s16;
	s14 =	spop (v2sf)  }
0x6f: {  	[tilespmem:s10], [sflag:$0x1] =	stream.linear.gather [hbm4b:s11+s2], $0x80, $0x38;
	[tilespmem:$0x10200] =	vst v63  }
0x70: {  	s10 =	sadd.s32 s3, s15;
	s11 =	sand.u32 $0x1FFFFFF0, s14;
	s14 =	spop (v2sf)  }
0x71: {  	[tilespmem:s12], [sflag:$0x1] =	stream.linear.gather [hbm4b:s10+s2], $0x80, $0x38;
	[tilespmem:$0x10200] =	vst v63  }
0x72: {  	s10 =	sadd.s32 s3, s13;
	s12 =	sand.u32 $0x1FFFFFF0, s14;
	s13 =	spop (v2sf)  }
0x73: {  	[tilespmem:s9], [sflag:$0x1] =	stream.linear.gather [hbm4b:s10+s2], $0x80, $0x38;
	[tilespmem:$0x10200] =	vst v63  }
0x74: {  	s9 =	sadd.s32 s3, s11;
	s10 =	sand.u32 $0x1FFFFFF0, s13;
	s11 =	spop (v2sf)  }
0x75: {  	[tilespmem:s1], [sflag:$0x1] =	stream.linear.gather [hbm4b:s9+s2], $0x80, $0x38;
	[tilespmem:$0x10200] =	vst v63  }
0x76: {  	s1 =	sadd.s32 s3, s12;
	s9 =	sand.u32 $0x1FFFFFF0, s11;
	s11 =	spop (v2sf)  }
0x77: {  	[tilespmem:s31], [sflag:$0x1] =	stream.linear.gather [hbm4b:s1+s2], $0x80, $0x38;
	[tilespmem:$0x10200] =	vst v63  }
0x78: {  	s1 =	sadd.s32 s3, s10;
	s10 =	sand.u32 $0x1FFFFFF0, s11  }
0x79: {  	[tilespmem:s0], [sflag:$0x1] =	stream.linear.gather [hbm4b:s1+s2], $0x80, $0x38;
	[tilespmem:$0x10200] =	vst v63  }
0x7a: {  	s28 =	sadd.s32 $0x10, s28;
	s0 =	sadd.s32 $0x1100, s26;
	s1 =	sadd.s32 s3, s9  }
0x7b: {  	[tilespmem:s0], [sflag:$0x1] =	stream.linear.gather [hbm4b:s1+s2], $0x80, $0x38;
	[tilespmem:$0x10200] =	vst v63  }
0x7c: {  	s0 =	sadd.s32 $0x1180, s26;
	s1 =	sadd.s32 s3, s10  }
0x7d: {  	[tilespmem:s0], [sflag:$0x1] =	stream.linear.gather [hbm4b:s1+s2], $0x80, $0x38;
	[tilespmem:$0x10200] =	vst v63  }
0x7e: {  	_ =	swait.ge [sflag:s24], $0x800  }
0x7f: {  	[sflag:s24] =	ssyncset.done $0x0  }
0x80: {  	[sflag:s24] =	ssyncadd.s32 $0xFFFFF800  }
0x81: {  	v0 =	vld [tilespmem:s28+$0x0];
	_ =	sdelay $0x4  }
0x82: {  	v0 =	vshll.u32 v0, $0x4  }
0x83: {  	(v2sf) =	vpush v0, $0x0  }
0x84: {  	(v2sf) =	vpush v0, $0x1  }
0x85: {  	(v2sf) =	vpush v0, $0x2;
	_ =	sdelay $0x1  }
0x86: {  	(v2sf) =	vpush v0, $0x4  }
.Ltmp0:
0x87: {  	(pc) =	sbr.rel @p0 .LBB2_2-.Ltmp0, $3  }
0x88: {  	(v2sf) =	vpush v0, $0x3  }
0x89: {  	(v2sf) =	vpush v0, $0x5;
	_ =	sdelay $0x1  }
0x8a: {  	s26 =	sshra.s32 s30, $0x2;
	(v2sf) =	vpush v0, $0x6  }
0x8b: {  	_ =	sdelay $0x1  }
0x8c: {  	s10 =	sadd.s32 $0xA80, s26;
	s9 =	sadd.s32 $0xF80, s26  }
0x8d: {  	s11 =	sadd.s32 $0xD80, s26;
	s0 =	sadd.s32 $0x1000, s26;
	(v2sf) =	vpush v0, $0x7;
	s12 =	sadd.s32 $0xC80, s26  }
0x8e: {  	s13 =	sadd.s32 $0xE00, s26;
	s1 =	sadd.s32 $0x1080, s26;
	s14 =	sadd.s32 $0xA00, s26  }
0x8f: {  	s15 =	sadd.s32 $0xC00, s26;
	s16 =	sadd.s32 $0xD00, s26;
	(v2sf) =	vpush v0, $0x8;
	s17 =	spop (v2sf)  }
0x90: {  	s18 =	sadd.s32 $0xB00, s26;
	s17 =	sand.u32 $0x1FFFFFF0, s17;
	s19 =	spop (v2sf)  }
0x91: {  	(v2sf) =	vpush v0, $0x9;
	s17 =	sadd.s32 s3, s17;
	s19 =	sand.u32 $0x1FFFFFF0, s19;
	s20 =	spop (v2sf)  }
0x92: {  	[tilespmem:s14], [sflag:$0x1] =	stream.linear.gather [hbm4b:s17+s2], $0x80, $0x38;
	[tilespmem:$0x10200] =	vst v63  }
0x93: {  	(v2sf) =	vpush v0, $0xA;
	s21 =	sadd.s32 s3, s19;
	s29 =	sand.u32 $0x1FFFFFF0, s20;
	s28 =	spop (v2sf)  }
0x94: {  	[tilespmem:s10], [sflag:$0x1] =	stream.linear.gather [hbm4b:s21+s2], $0x80, $0x38;
	[tilespmem:$0x10200] =	vst v63  }
0x95: {  	s14 =	sadd.s32 $0xF00, s26;
	(v2sf) =	vpush v0, $0xB;
	s17 =	sadd.s32 s3, s29;
	s30 =	spop (v2sf)  }
0x96: {  	s10 =	sadd.s32 $0xE80, s26;
	s21 =	sadd.s32 $0xB80, s26;
	s20 =	sand.u32 $0x1FFFFFF0, s30  }
0x97: {  	(v2sf) =	vpush v0, $0xC;
	[tilespmem:s18], [sflag:$0x1] =	stream.linear.gather [hbm4b:s17+s2], $0x80, $0x38;
	[tilespmem:$0x10200] =	vst v63  }
0x98: {  	s31 =	sand.u32 $0x1FFFFFF0, s28;
	s28 =	spop (v2sf);
	s29 =	sadd.s32 s3, s20  }
0x99: {  	(v2sf) =	vpush v0, $0xD;
	[tilespmem:s21], [sflag:$0x1] =	stream.linear.gather [hbm4b:s29+s2], $0x80, $0x38;
	[tilespmem:$0x10200] =	vst v63  }
0x9a: {  	s17 =	sadd.s32 s3, s31;
	s18 =	sand.u32 $0x1FFFFFF0, s28;
	s30 =	spop (v2sf)  }
0x9b: {  	(v2sf) =	vpush v0, $0xE;
	[tilespmem:s15], [sflag:$0x1] =	stream.linear.gather [hbm4b:s17+s2], $0x80, $0x38;
	[tilespmem:$0x10200] =	vst v63  }
0x9c: {  	s18 =	sadd.s32 s3, s18;
	s31 =	sand.u32 $0x1FFFFFF0, s30;
	s19 =	spop (v2sf)  }
0x9d: {  	(v2sf) =	vpush v0, $0xF;
	[tilespmem:s12], [sflag:$0x1] =	stream.linear.gather [hbm4b:s18+s2], $0x80, $0x38;
	[tilespmem:$0x10200] =	vst v63  }
0x9e: {  	s20 =	sand.u32 $0x1FFFFFF0, s19;
	s21 =	spop (v2sf);
	s15 =	sadd.s32 s3, s31  }
0x9f: {  	[tilespmem:s16], [sflag:$0x1] =	stream.linear.gather [hbm4b:s15+s2], $0x80, $0x38;
	[tilespmem:$0x10200] =	vst v63  }
0xa0: {  	s28 =	sand.u32 $0x1FFFFFF0, s21;
	s12 =	sadd.s32 s3, s20;
	s29 =	spop (v2sf)  }
0xa1: {  	[tilespmem:s11], [sflag:$0x1] =	stream.linear.gather [hbm4b:s12+s2], $0x80, $0x38;
	[tilespmem:$0x10200] =	vst v63  }
0xa2: {  	s15 =	sadd.s32 s3, s28;
	s30 =	sand.u32 $0x1FFFFFF0, s29;
	s31 =	spop (v2sf)  }
0xa3: {  	[tilespmem:s13], [sflag:$0x1] =	stream.linear.gather [hbm4b:s15+s2], $0x80, $0x38;
	[tilespmem:$0x10200] =	vst v63  }
0xa4: {  	s12 =	sand.u32 $0x1FFFFFF0, s31;
	s11 =	sadd.s32 s3, s30;
	s15 =	spop (v2sf)  }
0xa5: {  	[tilespmem:s10], [sflag:$0x1] =	stream.linear.gather [hbm4b:s11+s2], $0x80, $0x38;
	[tilespmem:$0x10200] =	vst v63  }
0xa6: {  	s12 =	sadd.s32 s3, s12;
	s16 =	sand.u32 $0x1FFFFFF0, s15;
	s17 =	spop (v2sf)  }
0xa7: {  	[tilespmem:s14], [sflag:$0x1] =	stream.linear.gather [hbm4b:s12+s2], $0x80, $0x38;
	[tilespmem:$0x10200] =	vst v63  }
0xa8: {  	s10 =	sadd.s32 s3, s16;
	s11 =	sand.u32 $0x1FFFFFF0, s17;
	s18 =	spop (v2sf)  }
0xa9: {  	[tilespmem:s9], [sflag:$0x1] =	stream.linear.gather [hbm4b:s10+s2], $0x80, $0x38;
	[tilespmem:$0x10200] =	vst v63  }
0xaa: {  	s19 =	sand.u32 $0x1FFFFFF0, s18;
	s11 =	sadd.s32 s3, s11;
	s20 =	spop (v2sf)  }
0xab: {  	[tilespmem:s0], [sflag:$0x1] =	stream.linear.gather [hbm4b:s11+s2], $0x80, $0x38;
	[tilespmem:$0x10200] =	vst v63  }
0xac: {  	s21 =	sand.u32 $0x1FFFFFF0, s20;
	s28 =	spop (v2sf);
	s9 =	sadd.s32 s3, s19  }
0xad: {  	[tilespmem:s1], [sflag:$0x1] =	stream.linear.gather [hbm4b:s9+s2], $0x80, $0x38;
	[tilespmem:$0x10200] =	vst v63  }
0xae: {  	s30 =	sadd.s32 $0x1100, s26;
	s29 =	sand.u32 $0x1FFFFFF0, s28;
	s0 =	sadd.s32 s3, s21  }
0xaf: {  	[tilespmem:s30], [sflag:$0x1] =	stream.linear.gather [hbm4b:s0+s2], $0x80, $0x38;
	[tilespmem:$0x10200] =	vst v63  }
0xb0: {  	s31 =	sadd.s32 $0x1180, s26;
	s1 =	sadd.s32 s3, s29  }
0xb1: {  	[tilespmem:s31], [sflag:$0x1] =	stream.linear.gather [hbm4b:s1+s2], $0x80, $0x38;
	[tilespmem:$0x10200] =	vst v63  }
0xb2: {  	_ =	swait.ge [sflag:s24], $0x800  }
0xb3: {  	[sflag:s24] =	ssyncset.done $0x0  }
0xb4: {  	[sflag:s24] =	ssyncadd.s32 $0xFFFFF800  }
0xb5: {  	s25 =	sadd.s32 $0x1, s25;
	_ =	swait.ge [sflag:s24], $0x800  }
0xb6: {  	p0 =	sne.s32 s25, s6;
	[sflag:s24] =	ssyncset.done $0x0  }
.Ltmp1:
0xb7: {  	[sflag:s24] =	ssyncadd.s32 $0xFFFFF800;
	(pc) =	sbr.rel @p0 .LBB2_1-.Ltmp1, $4  }
0xb8: {  	[hbm4b:s5+s2] =	stream.linear.scatter [tilespmem:s8], [sflag:$0x2], $0x10000, $0x38;
	[tilespmem:$0x10200] =	vst v63  }
0xb9: {  	_ =	swait.ge [sflag:s7], $0x10000  }
0xba: {  	[sflag:s7] =	ssyncset.done $0x0  }
0xbb: {  	[sflag:s7] =	ssyncadd.s32 $0xFFFF0000  }
0xbc: {  	_ =	sfence.sel $0x180000  }
0xbd: {  	[bflag:$0x0] =	sbarrier.arrive $0xFFFF  }
0xbe: {  	_ =	strace $0x90000047  }
0xbf: {  	s0 =	stileid.u32;
	[bflag:$0x2] =	sbarrier.arrive $0xFFFF  }
0xc0: {  	p0 =	sne.s32 s0, $0x0;
	s0 =	rddreg [dreg:$0x2]  }
0xc1: {  	s0 =	sadd.s32 @!p0 $0x100000, s0  }
0xc2: {  	[sflag:s0] =	ssyncadd.tile.s32 @!p0 $0x1;
	_ =	shalt  }
.Lfunc_end2:
_tile_overlayer_lowered:
.L_overlay_start_2:
0xc3: {  	(tag) =	ssettag $0x2  }
0xc4: {  	s0 =	rddreg [dreg:$0x0];
	s2 =	stileid.u32  }
0xc5: {  	s1 =	rddreg [dreg:$0x1];
	p0 =	sne.s32 s2, $0x0  }
0xc6: {  	s3 =	rddreg [dreg:$0x2];
	[bflag:$0x3] =	sbarrier.arrive $0xFFFF;
	s2 =	simm.s32 @!p0 $0x1C02  }
0xc7: {  	[timem:s3], [sflag:s2] =	dma.local @!p0 [hbm:s0], s1  }
0xc8: {  	s0 =	simm.s32 @!p0 $0x2  }
0xc9: {  	_ =	swait.ge @!p0 [sflag:s0], s1  }
0xca: {  	s1 =	ssub.s32 @!p0 $0x0, s1;
	[sflag:s0] =	ssyncset.done @!p0 $0x0  }
0xcb: {  	[sflag:s0] =	ssyncadd.s32 @!p0 s1  }
0xcc: {  	[bflag:$0x3] =	sbarrier.arrive $0xFFFF  }
0xcd: {  	_ =	shalt  }

</sc_bundles>
